<compile_context>
chip_gen: v7x
topology: tpu7x:2x2x1
jax: 0.10.2.dev20260603
libtpu: 0.0.44.dev20260713+nightly
codegen_flags: <defaults>
</compile_context>

<pallas_src>
import functools

import jax
import jax.numpy as jnp
from jax import lax
from jax.experimental import pallas as pl
from jax.experimental.pallas import tpu as pltpu
from jax.experimental.pallas import tpu_sc as plsc

_N = 10000
_E = 320000
_D = 128
_NC = 2
_NS = 16
_NW = _NC * _NS
_CH = 128
_EPW = 10240
_EPAD = _EPW * _NW
_NCHUNK = _EPW // _CH
_NPHASE = 2
_CPP = _NCHUNK // _NPHASE
_NPAIR = _CPP // 2
_NPAD = 10240
_RPT_ACC = _NPAD // _NS
_DEGPAD = 10240
_RPT_DEG = _DEGPAD // _NS

_RB = 1000
_GRID = _N // _RB


def _sc_agg_body(with_deg, *refs):
    if with_deg:
        (x_hbm, e_hbm, zrows_hbm, zdeg_hbm, acc_out, deg_out,
         src_v, dst_v, rows_v, ones_v, acc_sh, deg_sh, sem0, sem1) = refs
    else:
        (x_hbm, e_hbm, zrows_hbm, acc_out,
         src_v, dst_v, rows_v, acc_sh, sem0, sem1) = refs
    c = lax.axis_index("c")
    s = lax.axis_index("s")
    wid = s * _NC + c

    pltpu.sync_copy(zrows_hbm, acc_sh.at[pl.ds(s * _RPT_ACC, _RPT_ACC), :])
    if with_deg:
        pltpu.sync_copy(zdeg_hbm, deg_sh.at[pl.ds(s * _RPT_DEG, _RPT_DEG)])
        for i in range(_CH // 16):
            ones_v[pl.ds(i * 16, 16)] = jnp.ones((16,), jnp.float32)
    plsc.subcore_barrier()

    sems = (sem0, sem1)

    def start_gather(g, slot):
        pltpu.async_copy(x_hbm.at[src_v.at[g]], rows_v.at[slot], sems[slot])

    def drain_and_scatter(g, slot):
        pltpu.make_async_copy(x_hbm.at[src_v.at[g]], rows_v.at[slot],
                              sems[slot]).wait()
        pltpu.sync_copy(rows_v.at[slot], acc_sh.at[dst_v.at[g]], add=True)
        if with_deg:
            pltpu.sync_copy(ones_v, deg_sh.at[dst_v.at[g]], add=True)

    def step_pair(p, _):
        g0 = 2 * p
        start_gather(g0 + 1, 1)
        drain_and_scatter(g0, 0)

        @pl.when(p < _NPAIR - 1)
        def _():
            start_gather(g0 + 2, 0)

        drain_and_scatter(g0 + 1, 1)
        return 0

    for half in range(_NPHASE):
        pltpu.sync_copy(e_hbm.at[0, wid, pl.ds(half * _CPP, _CPP)], src_v)
        pltpu.sync_copy(e_hbm.at[1, wid, pl.ds(half * _CPP, _CPP)], dst_v)
        start_gather(0, 0)
        lax.fori_loop(0, _NPAIR, step_pair, 0)

    plsc.subcore_barrier()
    pltpu.sync_copy(acc_sh.at[pl.ds(s * _RPT_ACC, _RPT_ACC), :],
                    acc_out.at[c, pl.ds(s * _RPT_ACC, _RPT_ACC), :])
    if with_deg:
        pltpu.sync_copy(deg_sh.at[pl.ds(s * _RPT_DEG, _RPT_DEG)],
                        deg_out.at[c, pl.ds(s * _RPT_DEG, _RPT_DEG)])


@functools.lru_cache(maxsize=None)
def _make_sc_agg(with_deg):
    mesh = plsc.VectorSubcoreMesh(core_axis_name="c", subcore_axis_name="s",
                                  num_cores=_NC, num_subcores=_NS)
    out_type = [jax.ShapeDtypeStruct((_NC, _NPAD, _D), jnp.float32)]
    scratch = [
        pltpu.VMEM((_CPP, _CH), jnp.int32),
        pltpu.VMEM((_CPP, _CH), jnp.int32),
        pltpu.VMEM((2, _CH, _D), jnp.float32),
    ]
    if with_deg:
        out_type.append(jax.ShapeDtypeStruct((_NC, _DEGPAD), jnp.float32))
        scratch.append(pltpu.VMEM((_CH,), jnp.float32))
    scratch.append(pltpu.VMEM_SHARED((_NPAD, _D), jnp.float32))
    if with_deg:
        scratch.append(pltpu.VMEM_SHARED((_DEGPAD,), jnp.float32))
    scratch.append(pltpu.SemaphoreType.DMA)
    scratch.append(pltpu.SemaphoreType.DMA)
    return pl.kernel(
        functools.partial(_sc_agg_body, with_deg),
        out_type=out_type,
        mesh=mesh,
        scratch_types=scratch,
    )


def _dense_body(with_relu, emit_recip, x_ref, acc_ref, deg_ref, ws_ref,
                wn_ref, b_ref, *out_refs):
    if emit_recip:
        d = jnp.maximum(deg_ref[0] + deg_ref[1], 1.0)
        r = 1.0 / d
    else:
        r = deg_ref[...]
    hn = (acc_ref[0] + acc_ref[1]) * r
    y = (jnp.dot(x_ref[...], ws_ref[...], preferred_element_type=jnp.float32)
         + jnp.dot(hn, wn_ref[...], preferred_element_type=jnp.float32)
         + b_ref[...])
    if with_relu:
        y = jnp.maximum(y, 0.0)
    out_refs[0][...] = y
    if emit_recip:
        out_refs[1][...] = r


def _make_dense(with_relu, emit_recip):
    deg_spec = (pl.BlockSpec((2, _RB, 1), lambda i: (0, i, 0)) if emit_recip
                else pl.BlockSpec((_RB, 1), lambda i: (i, 0)))
    out_shape = [jax.ShapeDtypeStruct((_N, _D), jnp.float32)]
    out_specs = [pl.BlockSpec((_RB, _D), lambda i: (i, 0))]
    if emit_recip:
        out_shape.append(jax.ShapeDtypeStruct((_N, 1), jnp.float32))
        out_specs.append(pl.BlockSpec((_RB, 1), lambda i: (i, 0)))
    return pl.pallas_call(
        functools.partial(_dense_body, with_relu, emit_recip),
        grid=(_GRID,),
        in_specs=[
            pl.BlockSpec((_RB, _D), lambda i: (i, 0)),
            pl.BlockSpec((2, _RB, _D), lambda i: (0, i, 0)),
            deg_spec,
            pl.BlockSpec((_D, _D), lambda i: (0, 0)),
            pl.BlockSpec((_D, _D), lambda i: (0, 0)),
            pl.BlockSpec((1, _D), lambda i: (0, 0)),
        ],
        out_specs=out_specs,
        out_shape=out_shape,
    )


_dense1 = _make_dense(True, True)
_dense2 = _make_dense(False, False)


def kernel(h, edge_index, W_self1, W_neigh1, b1, W_self2, W_neigh2, b2):
    edges = edge_index.astype(jnp.int32)
    pad_n = _EPAD - _E
    pad_ar = jnp.arange(pad_n, dtype=jnp.int32)
    pad_blk = jnp.stack([pad_ar % _N, _N + pad_ar % (_NPAD - _N)])
    e4 = jnp.concatenate([edges, pad_blk], axis=1).reshape(
        2, _NW, _NCHUNK, _CH)
    zrows = jnp.zeros((_RPT_ACC, _D), jnp.float32)
    zdeg = jnp.zeros((_RPT_DEG,), jnp.float32)

    acc1, deg = _make_sc_agg(True)(h, e4, zrows, zdeg)
    deg3 = deg.reshape(_NC, _DEGPAD, 1)
    x, recip = _dense1(h, acc1, deg3, W_self1, W_neigh1, b1.reshape(1, _D))
    (acc2,) = _make_sc_agg(False)(x, e4, zrows)
    (out,) = _dense2(x, acc2, recip, W_self2, W_neigh2, b2.reshape(1, _D))
    return out

# --- scband reference (transcript-rebuilt; emitter-appended) ---
"""Pipeline reference for scband-graph-sage-31224412242363 (READ-ONLY COPY).

The authoritative reference and input builder live on the scoring server;
editing this copy changes nothing except your own understanding.
"""

import jax, jax.numpy as jnp
import numpy as np

N = 10000
E = 320000
D = 128


def setup_inputs(seed: int = 0) -> dict:
    key = jax.random.key(seed)
    ks = jax.random.split(key, 8)
    h = jax.random.normal(ks[0], (N, D), dtype=jnp.float32)
    edge_index = jax.random.randint(ks[1], (2, E), 0, N)
    scale = 1.0 / np.sqrt(D)
    W_self1 = jax.random.normal(ks[2], (D, D), dtype=jnp.float32) * scale
    W_neigh1 = jax.random.normal(ks[3], (D, D), dtype=jnp.float32) * scale
    b1 = jnp.zeros((D,), dtype=jnp.float32)
    W_self2 = jax.random.normal(ks[4], (D, D), dtype=jnp.float32) * scale
    W_neigh2 = jax.random.normal(ks[5], (D, D), dtype=jnp.float32) * scale
    b2 = jnp.zeros((D,), dtype=jnp.float32)
    return {"h": h, "edge_index": edge_index, "W_self1": W_self1, "W_neigh1": W_neigh1, "b1": b1, "W_self2": W_self2, "W_neigh2": W_neigh2, "b2": b2}


def reference(h, edge_index, W_self1, W_neigh1, b1, W_self2, W_neigh2, b2):
    # Two-layer GraphSAGE with mean aggregator (DGL SAGEConv semantics):
    #   h_neigh = mean_{u in N(v)} h_u ; h_out = h_v @ W_self + h_neigh @ W_neigh + b
    # HeteroGraphConv with a single edge type and 'sum' aggregate reduces to one SAGEConv per layer.
    src = edge_index[0]
    dst = edge_index[1]
    ones = jnp.ones((E,), dtype=jnp.float32)
    deg = jax.ops.segment_sum(ones, dst, num_segments=N)
    deg = jnp.clip(deg, 1.0, None)[:, None]

    def sage_layer(x, Ws, Wn, b):
        msgs = x[src]  # gather source node features along edges
        agg = jax.ops.segment_sum(msgs, dst, num_segments=N)  # scatter-add by dst
        h_neigh = agg / deg  # mean aggregation
        return x @ Ws + h_neigh @ Wn + b

    x = jax.nn.relu(sage_layer(h, W_self1, W_neigh1, b1))
    out = sage_layer(x, W_self2, W_neigh2, b2)
    return out

if __name__ == "__main__":
    import jax
    _d = setup_inputs()
    print(jax.jit(kernel)(*tuple(_d.values())))

</pallas_src>

<mosaic_0001>
#map = affine_map<(d0, d1) -> (0, 0)>
#map1 = affine_map<(d0, d1) -> (0, 0, 0, 0)>
#map2 = affine_map<(d0, d1) -> (0)>
#map3 = affine_map<(d0, d1) -> (0, 0, 0)>
module attributes {stable_mosaic.version = 14 : i64} {
  func.func @_sc_agg_body(%arg0: i32, %arg1: i32, %arg2: memref<10000x128xf32, #tpu.memory_space<hbm>>, %arg3: memref<2x32x80x128xi32, #tpu.memory_space<hbm>>, %arg4: memref<640x128xf32, #tpu.memory_space<hbm>>, %arg5: memref<640xf32, #tpu.memory_space<hbm>>, %arg6: memref<2x10240x128xf32, #tpu.memory_space<hbm>>, %arg7: memref<2x10240xf32, #tpu.memory_space<hbm>>, %arg8: memref<40x128xi32, #tpu.memory_space<vmem>>, %arg9: memref<40x128xi32, #tpu.memory_space<vmem>>, %arg10: memref<2x128x128xf32, #tpu.memory_space<vmem>>, %arg11: memref<128xf32, #tpu.memory_space<vmem>>, %arg12: memref<10240x128xf32, #tpu.memory_space<vmem_shared>>, %arg13: memref<10240xf32, #tpu.memory_space<vmem_shared>>, %arg14: memref<!tpu.dma_semaphore, #tpu.memory_space<semaphore_mem>>, %arg15: memref<!tpu.dma_semaphore, #tpu.memory_space<semaphore_mem>>) attributes {dimension_semantics = [#tpu.dimension_semantics<core_parallel>, #tpu.dimension_semantics<subcore_parallel>], iteration_bounds = array<i64: 2, 16>, scalar_prefetch = 0 : i64, scratch_operands = 8 : i64, tpu.core_type = #tpu.core_type<sc_vector_subcore>, window_params = [{transform_indices = #map}, {transform_indices = #map1}, {transform_indices = #map}, {transform_indices = #map2}, {transform_indices = #map3}, {transform_indices = #map}]} {
    %mul3A = arith.constant 2 : i32
    %mul3A_0 = arith.muli %arg1, %mul3A : i32
    %add3A = arith.addi %mul3A_0, %arg0 : i32
    %mul3A_1 = arith.constant 640 : i32
    %mul3A_2 = arith.muli %arg1, %mul3A_1 : i32
    "tpu.region"() ({
      %run_scoped3A_99 = tpu.sem_alloc : memref<!tpu.dma_semaphore, #tpu.memory_space<semaphore_mem>>
      %dma_start3A_100 = arith.constant 0 : i32
      %dma_start3A_101 = tpu.memref_slice %arg12[%mul3A_2, %dma_start3A_100] : memref<10240x128xf32, #tpu.memory_space<vmem_shared>> -> memref<640x128xf32, #tpu.memory_space<vmem_shared>>
      tpu.enqueue_dma source(%arg4 : memref<640x128xf32, #tpu.memory_space<hbm>>) target(%dma_start3A_101 : memref<640x128xf32, #tpu.memory_space<vmem_shared>>) target_semaphore(%run_scoped3A_99 : memref<!tpu.dma_semaphore, #tpu.memory_space<semaphore_mem>>)
      %dma_wait3A = arith.constant 0 : i32
      %dma_wait3A_102 = tpu.memref_slice %arg12[%mul3A_2, %dma_wait3A] : memref<10240x128xf32, #tpu.memory_space<vmem_shared>> -> memref<640x128xf32, #tpu.memory_space<vmem_shared>>
      tpu.wait_dma2 semaphore(%run_scoped3A_99 : memref<!tpu.dma_semaphore, #tpu.memory_space<semaphore_mem>>) src(%arg4 : memref<640x128xf32, #tpu.memory_space<hbm>>) dst(%dma_wait3A_102 : memref<640x128xf32, #tpu.memory_space<vmem_shared>>)
      tpu.yield
    }) : () -> ()
    %mul3A_3 = arith.constant 640 : i32
    %mul3A_4 = arith.muli %arg1, %mul3A_3 : i32
    "tpu.region"() ({
      %run_scoped3A_99 = tpu.sem_alloc : memref<!tpu.dma_semaphore, #tpu.memory_space<semaphore_mem>>
      %dma_start3A_100 = tpu.memref_slice %arg13[%mul3A_4] : memref<10240xf32, #tpu.memory_space<vmem_shared>> -> memref<640xf32, #tpu.memory_space<vmem_shared>>
      tpu.enqueue_dma source(%arg5 : memref<640xf32, #tpu.memory_space<hbm>>) target(%dma_start3A_100 : memref<640xf32, #tpu.memory_space<vmem_shared>>) target_semaphore(%run_scoped3A_99 : memref<!tpu.dma_semaphore, #tpu.memory_space<semaphore_mem>>)
      %dma_wait3A = tpu.memref_slice %arg13[%mul3A_4] : memref<10240xf32, #tpu.memory_space<vmem_shared>> -> memref<640xf32, #tpu.memory_space<vmem_shared>>
      tpu.wait_dma2 semaphore(%run_scoped3A_99 : memref<!tpu.dma_semaphore, #tpu.memory_space<semaphore_mem>>) src(%arg5 : memref<640xf32, #tpu.memory_space<hbm>>) dst(%dma_wait3A : memref<640xf32, #tpu.memory_space<vmem_shared>>)
      tpu.yield
    }) : () -> ()
    %broadcast_in_dim3A = arith.constant 1.000000e+00 : f32
    %broadcast_in_dim3A_5 = vector.broadcast %broadcast_in_dim3A : f32 to vector<16xf32>
    %swap3A = arith.constant 0 : index
    %swap3A_6 = tpu.vector_load %arg11[%swap3A] {strides = array<i32>} : memref<128xf32, #tpu.memory_space<vmem>>, vector<16xf32>,
    %swap3A_7 = vector.shape_cast %swap3A_6 : vector<16xf32> to vector<16xf32>
    %swap3A_8 = vector.shape_cast %broadcast_in_dim3A_5 : vector<16xf32> to vector<16xf32>
    tpu.vector_store %arg11[%swap3A], %swap3A_8 {strides = array<i32>} : memref<128xf32, #tpu.memory_space<vmem>>, vector<16xf32>,
    %broadcast_in_dim3A_9 = arith.constant 1.000000e+00 : f32
    %broadcast_in_dim3A_10 = vector.broadcast %broadcast_in_dim3A_9 : f32 to vector<16xf32>
    %swap3A_11 = arith.constant 16 : index
    %swap3A_12 = tpu.vector_load %arg11[%swap3A_11] {strides = array<i32>} : memref<128xf32, #tpu.memory_space<vmem>>, vector<16xf32>,
    %swap3A_13 = vector.shape_cast %swap3A_12 : vector<16xf32> to vector<16xf32>
    %swap3A_14 = vector.shape_cast %broadcast_in_dim3A_10 : vector<16xf32> to vector<16xf32>
    tpu.vector_store %arg11[%swap3A_11], %swap3A_14 {strides = array<i32>} : memref<128xf32, #tpu.memory_space<vmem>>, vector<16xf32>,
    %broadcast_in_dim3A_15 = arith.constant 1.000000e+00 : f32
    %broadcast_in_dim3A_16 = vector.broadcast %broadcast_in_dim3A_15 : f32 to vector<16xf32>
    %swap3A_17 = arith.constant 32 : index
    %swap3A_18 = tpu.vector_load %arg11[%swap3A_17] {strides = array<i32>} : memref<128xf32, #tpu.memory_space<vmem>>, vector<16xf32>,
    %swap3A_19 = vector.shape_cast %swap3A_18 : vector<16xf32> to vector<16xf32>
    %swap3A_20 = vector.shape_cast %broadcast_in_dim3A_16 : vector<16xf32> to vector<16xf32>
    tpu.vector_store %arg11[%swap3A_17], %swap3A_20 {strides = array<i32>} : memref<128xf32, #tpu.memory_space<vmem>>, vector<16xf32>,
    %broadcast_in_dim3A_21 = arith.constant 1.000000e+00 : f32
    %broadcast_in_dim3A_22 = vector.broadcast %broadcast_in_dim3A_21 : f32 to vector<16xf32>
    %swap3A_23 = arith.constant 48 : index
    %swap3A_24 = tpu.vector_load %arg11[%swap3A_23] {strides = array<i32>} : memref<128xf32, #tpu.memory_space<vmem>>, vector<16xf32>,
    %swap3A_25 = vector.shape_cast %swap3A_24 : vector<16xf32> to vector<16xf32>
    %swap3A_26 = vector.shape_cast %broadcast_in_dim3A_22 : vector<16xf32> to vector<16xf32>
    tpu.vector_store %arg11[%swap3A_23], %swap3A_26 {strides = array<i32>} : memref<128xf32, #tpu.memory_space<vmem>>, vector<16xf32>,
    %broadcast_in_dim3A_27 = arith.constant 1.000000e+00 : f32
    %broadcast_in_dim3A_28 = vector.broadcast %broadcast_in_dim3A_27 : f32 to vector<16xf32>
    %swap3A_29 = arith.constant 64 : index
    %swap3A_30 = tpu.vector_load %arg11[%swap3A_29] {strides = array<i32>} : memref<128xf32, #tpu.memory_space<vmem>>, vector<16xf32>,
    %swap3A_31 = vector.shape_cast %swap3A_30 : vector<16xf32> to vector<16xf32>
    %swap3A_32 = vector.shape_cast %broadcast_in_dim3A_28 : vector<16xf32> to vector<16xf32>
    tpu.vector_store %arg11[%swap3A_29], %swap3A_32 {strides = array<i32>} : memref<128xf32, #tpu.memory_space<vmem>>, vector<16xf32>,
    %broadcast_in_dim3A_33 = arith.constant 1.000000e+00 : f32
    %broadcast_in_dim3A_34 = vector.broadcast %broadcast_in_dim3A_33 : f32 to vector<16xf32>
    %swap3A_35 = arith.constant 80 : index
    %swap3A_36 = tpu.vector_load %arg11[%swap3A_35] {strides = array<i32>} : memref<128xf32, #tpu.memory_space<vmem>>, vector<16xf32>,
    %swap3A_37 = vector.shape_cast %swap3A_36 : vector<16xf32> to vector<16xf32>
    %swap3A_38 = vector.shape_cast %broadcast_in_dim3A_34 : vector<16xf32> to vector<16xf32>
    tpu.vector_store %arg11[%swap3A_35], %swap3A_38 {strides = array<i32>} : memref<128xf32, #tpu.memory_space<vmem>>, vector<16xf32>,
    %broadcast_in_dim3A_39 = arith.constant 1.000000e+00 : f32
    %broadcast_in_dim3A_40 = vector.broadcast %broadcast_in_dim3A_39 : f32 to vector<16xf32>
    %swap3A_41 = arith.constant 96 : index
    %swap3A_42 = tpu.vector_load %arg11[%swap3A_41] {strides = array<i32>} : memref<128xf32, #tpu.memory_space<vmem>>, vector<16xf32>,
    %swap3A_43 = vector.shape_cast %swap3A_42 : vector<16xf32> to vector<16xf32>
    %swap3A_44 = vector.shape_cast %broadcast_in_dim3A_40 : vector<16xf32> to vector<16xf32>
    tpu.vector_store %arg11[%swap3A_41], %swap3A_44 {strides = array<i32>} : memref<128xf32, #tpu.memory_space<vmem>>, vector<16xf32>,
    %broadcast_in_dim3A_45 = arith.constant 1.000000e+00 : f32
    %broadcast_in_dim3A_46 = vector.broadcast %broadcast_in_dim3A_45 : f32 to vector<16xf32>
    %swap3A_47 = arith.constant 112 : index
    %swap3A_48 = tpu.vector_load %arg11[%swap3A_47] {strides = array<i32>} : memref<128xf32, #tpu.memory_space<vmem>>, vector<16xf32>,
    %swap3A_49 = vector.shape_cast %swap3A_48 : vector<16xf32> to vector<16xf32>
    %swap3A_50 = vector.shape_cast %broadcast_in_dim3A_46 : vector<16xf32> to vector<16xf32>
    tpu.vector_store %arg11[%swap3A_47], %swap3A_50 {strides = array<i32>} : memref<128xf32, #tpu.memory_space<vmem>>, vector<16xf32>,
    %barrier3A = arith.constant 0 : index
    tpu.barrier barrier_id(%barrier3A)
    %run_scoped3A = arith.constant 0 : i32
    "tpu.region"() ({
      %run_scoped3A_99 = tpu.sem_alloc : memref<!tpu.dma_semaphore, #tpu.memory_space<semaphore_mem>>
      %dma_start3A_100 = arith.constant 0 : i32
      %dma_start3A_101 = arith.constant 0 : i32
      %dma_start3A_102 = tpu.memref_slice %arg3[%run_scoped3A, %add3A, %dma_start3A_100, %dma_start3A_101] : memref<2x32x80x128xi32, #tpu.memory_space<hbm>> -> memref<1x1x40x128xi32, #tpu.memory_space<hbm>>
      %dma_start3A_103 = tpu.memref_squeeze %dma_start3A_102 : memref<1x1x40x128xi32, #tpu.memory_space<hbm>> -> memref<40x128xi32, #tpu.memory_space<hbm>>
      %dma_start3A_104 = arith.constant 0 : i32
      %dma_start3A_105 = arith.constant 0 : i32
      %dma_start3A_106 = tpu.memref_slice %arg3[%run_scoped3A, %add3A, %dma_start3A_104, %dma_start3A_105] : memref<2x32x80x128xi32, #tpu.memory_space<hbm>> -> memref<1x1x40x128xi32, #tpu.memory_space<hbm>>
      %dma_start3A_107 = tpu.memref_squeeze %dma_start3A_106 : memref<1x1x40x128xi32, #tpu.memory_space<hbm>> -> memref<40x128xi32, #tpu.memory_space<hbm>>
      tpu.enqueue_dma source(%dma_start3A_107 : memref<40x128xi32, #tpu.memory_space<hbm>>) target(%arg8 : memref<40x128xi32, #tpu.memory_space<vmem>>) target_semaphore(%run_scoped3A_99 : memref<!tpu.dma_semaphore, #tpu.memory_space<semaphore_mem>>)
      %dma_wait3A = arith.constant 0 : i32
      %dma_wait3A_108 = arith.constant 0 : i32
      %dma_wait3A_109 = tpu.memref_slice %arg3[%run_scoped3A, %add3A, %dma_wait3A, %dma_wait3A_108] : memref<2x32x80x128xi32, #tpu.memory_space<hbm>> -> memref<1x1x40x128xi32, #tpu.memory_space<hbm>>
      %dma_wait3A_110 = tpu.memref_squeeze %dma_wait3A_109 : memref<1x1x40x128xi32, #tpu.memory_space<hbm>> -> memref<40x128xi32, #tpu.memory_space<hbm>>
      %dma_wait3A_111 = arith.constant 0 : i32
      %dma_wait3A_112 = arith.constant 0 : i32
      %dma_wait3A_113 = tpu.memref_slice %arg3[%run_scoped3A, %add3A, %dma_wait3A_111, %dma_wait3A_112] : memref<2x32x80x128xi32, #tpu.memory_space<hbm>> -> memref<1x1x40x128xi32, #tpu.memory_space<hbm>>
      %dma_wait3A_114 = tpu.memref_squeeze %dma_wait3A_113 : memref<1x1x40x128xi32, #tpu.memory_space<hbm>> -> memref<40x128xi32, #tpu.memory_space<hbm>>
      tpu.wait_dma2 semaphore(%run_scoped3A_99 : memref<!tpu.dma_semaphore, #tpu.memory_space<semaphore_mem>>) src(%dma_wait3A_114 : memref<40x128xi32, #tpu.memory_space<hbm>>) dst(%arg8 : memref<40x128xi32, #tpu.memory_space<vmem>>)
      tpu.yield
    }) : () -> ()
    %run_scoped3A_51 = arith.constant 1 : i32
    "tpu.region"() ({
      %run_scoped3A_99 = tpu.sem_alloc : memref<!tpu.dma_semaphore, #tpu.memory_space<semaphore_mem>>
      %dma_start3A_100 = arith.constant 0 : i32
      %dma_start3A_101 = arith.constant 0 : i32
      %dma_start3A_102 = tpu.memref_slice %arg3[%run_scoped3A_51, %add3A, %dma_start3A_100, %dma_start3A_101] : memref<2x32x80x128xi32, #tpu.memory_space<hbm>> -> memref<1x1x40x128xi32, #tpu.memory_space<hbm>>
      %dma_start3A_103 = tpu.memref_squeeze %dma_start3A_102 : memref<1x1x40x128xi32, #tpu.memory_space<hbm>> -> memref<40x128xi32, #tpu.memory_space<hbm>>
      %dma_start3A_104 = arith.constant 0 : i32
      %dma_start3A_105 = arith.constant 0 : i32
      %dma_start3A_106 = tpu.memref_slice %arg3[%run_scoped3A_51, %add3A, %dma_start3A_104, %dma_start3A_105] : memref<2x32x80x128xi32, #tpu.memory_space<hbm>> -> memref<1x1x40x128xi32, #tpu.memory_space<hbm>>
      %dma_start3A_107 = tpu.memref_squeeze %dma_start3A_106 : memref<1x1x40x128xi32, #tpu.memory_space<hbm>> -> memref<40x128xi32, #tpu.memory_space<hbm>>
      tpu.enqueue_dma source(%dma_start3A_107 : memref<40x128xi32, #tpu.memory_space<hbm>>) target(%arg9 : memref<40x128xi32, #tpu.memory_space<vmem>>) target_semaphore(%run_scoped3A_99 : memref<!tpu.dma_semaphore, #tpu.memory_space<semaphore_mem>>)
      %dma_wait3A = arith.constant 0 : i32
      %dma_wait3A_108 = arith.constant 0 : i32
      %dma_wait3A_109 = tpu.memref_slice %arg3[%run_scoped3A_51, %add3A, %dma_wait3A, %dma_wait3A_108] : memref<2x32x80x128xi32, #tpu.memory_space<hbm>> -> memref<1x1x40x128xi32, #tpu.memory_space<hbm>>
      %dma_wait3A_110 = tpu.memref_squeeze %dma_wait3A_109 : memref<1x1x40x128xi32, #tpu.memory_space<hbm>> -> memref<40x128xi32, #tpu.memory_space<hbm>>
      %dma_wait3A_111 = arith.constant 0 : i32
      %dma_wait3A_112 = arith.constant 0 : i32
      %dma_wait3A_113 = tpu.memref_slice %arg3[%run_scoped3A_51, %add3A, %dma_wait3A_111, %dma_wait3A_112] : memref<2x32x80x128xi32, #tpu.memory_space<hbm>> -> memref<1x1x40x128xi32, #tpu.memory_space<hbm>>
      %dma_wait3A_114 = tpu.memref_squeeze %dma_wait3A_113 : memref<1x1x40x128xi32, #tpu.memory_space<hbm>> -> memref<40x128xi32, #tpu.memory_space<hbm>>
      tpu.wait_dma2 semaphore(%run_scoped3A_99 : memref<!tpu.dma_semaphore, #tpu.memory_space<semaphore_mem>>) src(%dma_wait3A_114 : memref<40x128xi32, #tpu.memory_space<hbm>>) dst(%arg9 : memref<40x128xi32, #tpu.memory_space<vmem>>)
      tpu.yield
    }) : () -> ()
    %dma_start3A = arith.constant 0 : i32
    %dma_start3A_52 = arith.constant 0 : i32
    %dma_start3A_53 = arith.constant 0 : i32
    %dma_start3A_54 = arith.constant 0 : i32
    %dma_start3A_55 = tpu.memref_slice %arg10[%dma_start3A_52, %dma_start3A_53, %dma_start3A_54] : memref<2x128x128xf32, #tpu.memory_space<vmem>> -> memref<1x128x128xf32, #tpu.memory_space<vmem>>
    %dma_start3A_56 = tpu.memref_squeeze %dma_start3A_55 : memref<1x128x128xf32, #tpu.memory_space<vmem>> -> memref<128x128xf32, #tpu.memory_space<vmem>>
    %dma_start3A_57 = arith.constant 0 : i32
    %dma_start3A_58 = tpu.memref_slice %arg8[%dma_start3A, %dma_start3A_57] : memref<40x128xi32, #tpu.memory_space<vmem>> -> memref<1x128xi32, #tpu.memory_space<vmem>>
    %dma_start3A_59 = tpu.memref_squeeze %dma_start3A_58 : memref<1x128xi32, #tpu.memory_space<vmem>> -> memref<128xi32, #tpu.memory_space<vmem>>
    %dma_start3A_60 = arith.constant 0 : i32
    %dma_start3A_61 = arith.constant 0 : i32
    %dma_start3A_62 = tpu.memref_slice %arg2[%dma_start3A_60, %dma_start3A_61] : memref<10000x128xf32, #tpu.memory_space<hbm>> -> memref<10000x128xf32, #tpu.memory_space<hbm>>
    tpu.enqueue_indirect_dma source(%dma_start3A_62 : memref<10000x128xf32, #tpu.memory_space<hbm>>) target(%dma_start3A_56 : memref<128x128xf32, #tpu.memory_space<vmem>>) offsets(%dma_start3A_59 : memref<128xi32, #tpu.memory_space<vmem>>) semaphore(%arg14 : memref<!tpu.dma_semaphore, #tpu.memory_space<semaphore_mem>>)
    %scan3A = arith.constant 0 : i32
    %scan3A_63 = arith.constant 0 : i32
    %scan3A_64 = arith.constant 20 : i32
    %scan3A_65 = arith.addi %scan3A_63, %scan3A_64 : i32
    %scan3A_66 = arith.constant 1 : i32
    %scan3A_67 = scf.for %scan3A_99 = %scan3A_63 to %scan3A_65 step %scan3A_66 iter_args(%scan3A_100 = %scan3A) -> (i32)  : i32 {
      %mul3A_101 = arith.constant 2 : i32
      %mul3A_102 = arith.muli %mul3A_101, %scan3A_99 : i32
      %add3A_103 = arith.constant 1 : i32
      %add3A_104 = arith.addi %mul3A_102, %add3A_103 : i32
      %dma_start3A_105 = arith.constant 1 : i32
      %dma_start3A_106 = arith.constant 0 : i32
      %dma_start3A_107 = arith.constant 0 : i32
      %dma_start3A_108 = tpu.memref_slice %arg10[%dma_start3A_105, %dma_start3A_106, %dma_start3A_107] : memref<2x128x128xf32, #tpu.memory_space<vmem>> -> memref<1x128x128xf32, #tpu.memory_space<vmem>>
      %dma_start3A_109 = tpu.memref_squeeze %dma_start3A_108 : memref<1x128x128xf32, #tpu.memory_space<vmem>> -> memref<128x128xf32, #tpu.memory_space<vmem>>
      %dma_start3A_110 = arith.constant 0 : i32
      %dma_start3A_111 = tpu.memref_slice %arg8[%add3A_104, %dma_start3A_110] : memref<40x128xi32, #tpu.memory_space<vmem>> -> memref<1x128xi32, #tpu.memory_space<vmem>>
      %dma_start3A_112 = tpu.memref_squeeze %dma_start3A_111 : memref<1x128xi32, #tpu.memory_space<vmem>> -> memref<128xi32, #tpu.memory_space<vmem>>
      %dma_start3A_113 = arith.constant 0 : i32
      %dma_start3A_114 = arith.constant 0 : i32
      %dma_start3A_115 = tpu.memref_slice %arg2[%dma_start3A_113, %dma_start3A_114] : memref<10000x128xf32, #tpu.memory_space<hbm>> -> memref<10000x128xf32, #tpu.memory_space<hbm>>
      tpu.enqueue_indirect_dma source(%dma_start3A_115 : memref<10000x128xf32, #tpu.memory_space<hbm>>) target(%dma_start3A_109 : memref<128x128xf32, #tpu.memory_space<vmem>>) offsets(%dma_start3A_112 : memref<128xi32, #tpu.memory_space<vmem>>) semaphore(%arg15 : memref<!tpu.dma_semaphore, #tpu.memory_space<semaphore_mem>>)
      %dma_wait3A = arith.constant 0 : i32
      %dma_wait3A_116 = arith.constant 0 : i32
      %dma_wait3A_117 = arith.constant 0 : i32
      %dma_wait3A_118 = tpu.memref_slice %arg10[%dma_wait3A, %dma_wait3A_116, %dma_wait3A_117] : memref<2x128x128xf32, #tpu.memory_space<vmem>> -> memref<1x128x128xf32, #tpu.memory_space<vmem>>
      %dma_wait3A_119 = tpu.memref_squeeze %dma_wait3A_118 : memref<1x128x128xf32, #tpu.memory_space<vmem>> -> memref<128x128xf32, #tpu.memory_space<vmem>>
      %dma_wait3A_120 = arith.constant 0 : i32
      %dma_wait3A_121 = tpu.memref_slice %arg8[%mul3A_102, %dma_wait3A_120] : memref<40x128xi32, #tpu.memory_space<vmem>> -> memref<1x128xi32, #tpu.memory_space<vmem>>
      %dma_wait3A_122 = tpu.memref_squeeze %dma_wait3A_121 : memref<1x128xi32, #tpu.memory_space<vmem>> -> memref<128xi32, #tpu.memory_space<vmem>>
      %dma_wait3A_123 = arith.constant 0 : i32
      %dma_wait3A_124 = arith.constant 0 : i32
      %dma_wait3A_125 = tpu.memref_slice %arg2[%dma_wait3A_123, %dma_wait3A_124] : memref<10000x128xf32, #tpu.memory_space<hbm>> -> memref<10000x128xf32, #tpu.memory_space<hbm>>
      tpu.wait_indirect_dma semaphore(%arg14 : memref<!tpu.dma_semaphore, #tpu.memory_space<semaphore_mem>>) src(%dma_wait3A_125 : memref<10000x128xf32, #tpu.memory_space<hbm>>) dst(%dma_wait3A_119 : memref<128x128xf32, #tpu.memory_space<vmem>>)
      %run_scoped3A_126 = arith.constant 0 : i32
      "tpu.region"() ({
        %run_scoped3A_144 = tpu.sem_alloc : memref<!tpu.dma_semaphore, #tpu.memory_space<semaphore_mem>>
        %dma_start3A_145 = arith.constant 0 : i32
        %dma_start3A_146 = arith.constant 0 : i32
        %dma_start3A_147 = tpu.memref_slice %arg10[%run_scoped3A_126, %dma_start3A_145, %dma_start3A_146] : memref<2x128x128xf32, #tpu.memory_space<vmem>> -> memref<1x128x128xf32, #tpu.memory_space<vmem>>
        %dma_start3A_148 = tpu.memref_squeeze %dma_start3A_147 : memref<1x128x128xf32, #tpu.memory_space<vmem>> -> memref<128x128xf32, #tpu.memory_space<vmem>>
        %dma_start3A_149 = arith.constant 0 : i32
        %dma_start3A_150 = tpu.memref_slice %arg9[%mul3A_102, %dma_start3A_149] : memref<40x128xi32, #tpu.memory_space<vmem>> -> memref<1x128xi32, #tpu.memory_space<vmem>>
        %dma_start3A_151 = tpu.memref_squeeze %dma_start3A_150 : memref<1x128xi32, #tpu.memory_space<vmem>> -> memref<128xi32, #tpu.memory_space<vmem>>
        %dma_start3A_152 = arith.constant 0 : i32
        %dma_start3A_153 = arith.constant 0 : i32
        %dma_start3A_154 = tpu.memref_slice %arg12[%dma_start3A_152, %dma_start3A_153] : memref<10240x128xf32, #tpu.memory_space<vmem_shared>> -> memref<10240x128xf32, #tpu.memory_space<vmem_shared>>
        tpu.enqueue_indirect_dma source(%dma_start3A_148 : memref<128x128xf32, #tpu.memory_space<vmem>>) target(%dma_start3A_154 : memref<10240x128xf32, #tpu.memory_space<vmem_shared>>) offsets(%dma_start3A_151 : memref<128xi32, #tpu.memory_space<vmem>>) semaphore(%run_scoped3A_144 : memref<!tpu.dma_semaphore, #tpu.memory_space<semaphore_mem>>) {add = true}
        %dma_wait3A_155 = arith.constant 0 : i32
        %dma_wait3A_156 = arith.constant 0 : i32
        %dma_wait3A_157 = tpu.memref_slice %arg10[%run_scoped3A_126, %dma_wait3A_155, %dma_wait3A_156] : memref<2x128x128xf32, #tpu.memory_space<vmem>> -> memref<1x128x128xf32, #tpu.memory_space<vmem>>
        %dma_wait3A_158 = tpu.memref_squeeze %dma_wait3A_157 : memref<1x128x128xf32, #tpu.memory_space<vmem>> -> memref<128x128xf32, #tpu.memory_space<vmem>>
        %dma_wait3A_159 = arith.constant 0 : i32
        %dma_wait3A_160 = tpu.memref_slice %arg9[%mul3A_102, %dma_wait3A_159] : memref<40x128xi32, #tpu.memory_space<vmem>> -> memref<1x128xi32, #tpu.memory_space<vmem>>
        %dma_wait3A_161 = tpu.memref_squeeze %dma_wait3A_160 : memref<1x128xi32, #tpu.memory_space<vmem>> -> memref<128xi32, #tpu.memory_space<vmem>>
        %dma_wait3A_162 = arith.constant 0 : i32
        %dma_wait3A_163 = arith.constant 0 : i32
        %dma_wait3A_164 = tpu.memref_slice %arg12[%dma_wait3A_162, %dma_wait3A_163] : memref<10240x128xf32, #tpu.memory_space<vmem_shared>> -> memref<10240x128xf32, #tpu.memory_space<vmem_shared>>
        tpu.wait_indirect_dma semaphore(%run_scoped3A_144 : memref<!tpu.dma_semaphore, #tpu.memory_space<semaphore_mem>>) src(%dma_wait3A_158 : memref<128x128xf32, #tpu.memory_space<vmem>>) dst(%dma_wait3A_164 : memref<10240x128xf32, #tpu.memory_space<vmem_shared>>)
        tpu.yield
      }) : () -> ()
      "tpu.region"() ({
        %run_scoped3A_144 = tpu.sem_alloc : memref<!tpu.dma_semaphore, #tpu.memory_space<semaphore_mem>>
        %dma_start3A_145 = arith.constant 0 : i32
        %dma_start3A_146 = tpu.memref_slice %arg9[%mul3A_102, %dma_start3A_145] : memref<40x128xi32, #tpu.memory_space<vmem>> -> memref<1x128xi32, #tpu.memory_space<vmem>>
        %dma_start3A_147 = tpu.memref_squeeze %dma_start3A_146 : memref<1x128xi32, #tpu.memory_space<vmem>> -> memref<128xi32, #tpu.memory_space<vmem>>
        %dma_start3A_148 = arith.constant 0 : i32
        %dma_start3A_149 = tpu.memref_slice %arg13[%dma_start3A_148] : memref<10240xf32, #tpu.memory_space<vmem_shared>> -> memref<10240xf32, #tpu.memory_space<vmem_shared>>
        tpu.enqueue_indirect_dma source(%arg11 : memref<128xf32, #tpu.memory_space<vmem>>) target(%dma_start3A_149 : memref<10240xf32, #tpu.memory_space<vmem_shared>>) offsets(%dma_start3A_147 : memref<128xi32, #tpu.memory_space<vmem>>) semaphore(%run_scoped3A_144 : memref<!tpu.dma_semaphore, #tpu.memory_space<semaphore_mem>>) {add = true}
        %dma_wait3A_150 = arith.constant 0 : i32
        %dma_wait3A_151 = tpu.memref_slice %arg9[%mul3A_102, %dma_wait3A_150] : memref<40x128xi32, #tpu.memory_space<vmem>> -> memref<1x128xi32, #tpu.memory_space<vmem>>
        %dma_wait3A_152 = tpu.memref_squeeze %dma_wait3A_151 : memref<1x128xi32, #tpu.memory_space<vmem>> -> memref<128xi32, #tpu.memory_space<vmem>>
        %dma_wait3A_153 = arith.constant 0 : i32
        %dma_wait3A_154 = tpu.memref_slice %arg13[%dma_wait3A_153] : memref<10240xf32, #tpu.memory_space<vmem_shared>> -> memref<10240xf32, #tpu.memory_space<vmem_shared>>
        tpu.wait_indirect_dma semaphore(%run_scoped3A_144 : memref<!tpu.dma_semaphore, #tpu.memory_space<semaphore_mem>>) src(%arg11 : memref<128xf32, #tpu.memory_space<vmem>>) dst(%dma_wait3A_154 : memref<10240xf32, #tpu.memory_space<vmem_shared>>)
        tpu.yield
      }) : () -> ()
      %lt3A = arith.constant 19 : i32
      %lt3A_127 = arith.cmpi slt, %scan3A_99, %lt3A : i32
      %convert_element_type3A = arith.extui %lt3A_127 : i1 to i32
      %cond3A = arith.constant 0 : i32
      %cond3A_128 = arith.cmpi ne, %convert_element_type3A, %cond3A : i32
      scf.if %cond3A_128 {
        %add3A_144 = arith.constant 2 : i32
        %add3A_145 = arith.addi %mul3A_102, %add3A_144 : i32
        %dma_start3A_146 = arith.constant 0 : i32
        %dma_start3A_147 = arith.constant 0 : i32
        %dma_start3A_148 = arith.constant 0 : i32
        %dma_start3A_149 = tpu.memref_slice %arg10[%dma_start3A_146, %dma_start3A_147, %dma_start3A_148] : memref<2x128x128xf32, #tpu.memory_space<vmem>> -> memref<1x128x128xf32, #tpu.memory_space<vmem>>
        %dma_start3A_150 = tpu.memref_squeeze %dma_start3A_149 : memref<1x128x128xf32, #tpu.memory_space<vmem>> -> memref<128x128xf32, #tpu.memory_space<vmem>>
        %dma_start3A_151 = arith.constant 0 : i32
        %dma_start3A_152 = tpu.memref_slice %arg8[%add3A_145, %dma_start3A_151] : memref<40x128xi32, #tpu.memory_space<vmem>> -> memref<1x128xi32, #tpu.memory_space<vmem>>
        %dma_start3A_153 = tpu.memref_squeeze %dma_start3A_152 : memref<1x128xi32, #tpu.memory_space<vmem>> -> memref<128xi32, #tpu.memory_space<vmem>>
        %dma_start3A_154 = arith.constant 0 : i32
        %dma_start3A_155 = arith.constant 0 : i32
        %dma_start3A_156 = tpu.memref_slice %arg2[%dma_start3A_154, %dma_start3A_155] : memref<10000x128xf32, #tpu.memory_space<hbm>> -> memref<10000x128xf32, #tpu.memory_space<hbm>>
        tpu.enqueue_indirect_dma source(%dma_start3A_156 : memref<10000x128xf32, #tpu.memory_space<hbm>>) target(%dma_start3A_150 : memref<128x128xf32, #tpu.memory_space<vmem>>) offsets(%dma_start3A_153 : memref<128xi32, #tpu.memory_space<vmem>>) semaphore(%arg14 : memref<!tpu.dma_semaphore, #tpu.memory_space<semaphore_mem>>)
      } else {
      }
      %add3A_129 = arith.constant 1 : i32
      %add3A_130 = arith.addi %mul3A_102, %add3A_129 : i32
      %dma_wait3A_131 = arith.constant 1 : i32
      %dma_wait3A_132 = arith.constant 0 : i32
      %dma_wait3A_133 = arith.constant 0 : i32
      %dma_wait3A_134 = tpu.memref_slice %arg10[%dma_wait3A_131, %dma_wait3A_132, %dma_wait3A_133] : memref<2x128x128xf32, #tpu.memory_space<vmem>> -> memref<1x128x128xf32, #tpu.memory_space<vmem>>
      %dma_wait3A_135 = tpu.memref_squeeze %dma_wait3A_134 : memref<1x128x128xf32, #tpu.memory_space<vmem>> -> memref<128x128xf32, #tpu.memory_space<vmem>>
      %dma_wait3A_136 = arith.constant 0 : i32
      %dma_wait3A_137 = tpu.memref_slice %arg8[%add3A_130, %dma_wait3A_136] : memref<40x128xi32, #tpu.memory_space<vmem>> -> memref<1x128xi32, #tpu.memory_space<vmem>>
      %dma_wait3A_138 = tpu.memref_squeeze %dma_wait3A_137 : memref<1x128xi32, #tpu.memory_space<vmem>> -> memref<128xi32, #tpu.memory_space<vmem>>
      %dma_wait3A_139 = arith.constant 0 : i32
      %dma_wait3A_140 = arith.constant 0 : i32
      %dma_wait3A_141 = tpu.memref_slice %arg2[%dma_wait3A_139, %dma_wait3A_140] : memref<10000x128xf32, #tpu.memory_space<hbm>> -> memref<10000x128xf32, #tpu.memory_space<hbm>>
      tpu.wait_indirect_dma semaphore(%arg15 : memref<!tpu.dma_semaphore, #tpu.memory_space<semaphore_mem>>) src(%dma_wait3A_141 : memref<10000x128xf32, #tpu.memory_space<hbm>>) dst(%dma_wait3A_135 : memref<128x128xf32, #tpu.memory_space<vmem>>)
      %run_scoped3A_142 = arith.constant 1 : i32
      "tpu.region"() ({
        %run_scoped3A_144 = tpu.sem_alloc : memref<!tpu.dma_semaphore, #tpu.memory_space<semaphore_mem>>
        %dma_start3A_145 = arith.constant 0 : i32
        %dma_start3A_146 = arith.constant 0 : i32
        %dma_start3A_147 = tpu.memref_slice %arg10[%run_scoped3A_142, %dma_start3A_145, %dma_start3A_146] : memref<2x128x128xf32, #tpu.memory_space<vmem>> -> memref<1x128x128xf32, #tpu.memory_space<vmem>>
        %dma_start3A_148 = tpu.memref_squeeze %dma_start3A_147 : memref<1x128x128xf32, #tpu.memory_space<vmem>> -> memref<128x128xf32, #tpu.memory_space<vmem>>
        %dma_start3A_149 = arith.constant 0 : i32
        %dma_start3A_150 = tpu.memref_slice %arg9[%add3A_130, %dma_start3A_149] : memref<40x128xi32, #tpu.memory_space<vmem>> -> memref<1x128xi32, #tpu.memory_space<vmem>>
        %dma_start3A_151 = tpu.memref_squeeze %dma_start3A_150 : memref<1x128xi32, #tpu.memory_space<vmem>> -> memref<128xi32, #tpu.memory_space<vmem>>
        %dma_start3A_152 = arith.constant 0 : i32
        %dma_start3A_153 = arith.constant 0 : i32
        %dma_start3A_154 = tpu.memref_slice %arg12[%dma_start3A_152, %dma_start3A_153] : memref<10240x128xf32, #tpu.memory_space<vmem_shared>> -> memref<10240x128xf32, #tpu.memory_space<vmem_shared>>
        tpu.enqueue_indirect_dma source(%dma_start3A_148 : memref<128x128xf32, #tpu.memory_space<vmem>>) target(%dma_start3A_154 : memref<10240x128xf32, #tpu.memory_space<vmem_shared>>) offsets(%dma_start3A_151 : memref<128xi32, #tpu.memory_space<vmem>>) semaphore(%run_scoped3A_144 : memref<!tpu.dma_semaphore, #tpu.memory_space<semaphore_mem>>) {add = true}
        %dma_wait3A_155 = arith.constant 0 : i32
        %dma_wait3A_156 = arith.constant 0 : i32
        %dma_wait3A_157 = tpu.memref_slice %arg10[%run_scoped3A_142, %dma_wait3A_155, %dma_wait3A_156] : memref<2x128x128xf32, #tpu.memory_space<vmem>> -> memref<1x128x128xf32, #tpu.memory_space<vmem>>
        %dma_wait3A_158 = tpu.memref_squeeze %dma_wait3A_157 : memref<1x128x128xf32, #tpu.memory_space<vmem>> -> memref<128x128xf32, #tpu.memory_space<vmem>>
        %dma_wait3A_159 = arith.constant 0 : i32
        %dma_wait3A_160 = tpu.memref_slice %arg9[%add3A_130, %dma_wait3A_159] : memref<40x128xi32, #tpu.memory_space<vmem>> -> memref<1x128xi32, #tpu.memory_space<vmem>>
        %dma_wait3A_161 = tpu.memref_squeeze %dma_wait3A_160 : memref<1x128xi32, #tpu.memory_space<vmem>> -> memref<128xi32, #tpu.memory_space<vmem>>
        %dma_wait3A_162 = arith.constant 0 : i32
        %dma_wait3A_163 = arith.constant 0 : i32
        %dma_wait3A_164 = tpu.memref_slice %arg12[%dma_wait3A_162, %dma_wait3A_163] : memref<10240x128xf32, #tpu.memory_space<vmem_shared>> -> memref<10240x128xf32, #tpu.memory_space<vmem_shared>>
        tpu.wait_indirect_dma semaphore(%run_scoped3A_144 : memref<!tpu.dma_semaphore, #tpu.memory_space<semaphore_mem>>) src(%dma_wait3A_158 : memref<128x128xf32, #tpu.memory_space<vmem>>) dst(%dma_wait3A_164 : memref<10240x128xf32, #tpu.memory_space<vmem_shared>>)
        tpu.yield
      }) : () -> ()
      "tpu.region"() ({
        %run_scoped3A_144 = tpu.sem_alloc : memref<!tpu.dma_semaphore, #tpu.memory_space<semaphore_mem>>
        %dma_start3A_145 = arith.constant 0 : i32
        %dma_start3A_146 = tpu.memref_slice %arg9[%add3A_130, %dma_start3A_145] : memref<40x128xi32, #tpu.memory_space<vmem>> -> memref<1x128xi32, #tpu.memory_space<vmem>>
        %dma_start3A_147 = tpu.memref_squeeze %dma_start3A_146 : memref<1x128xi32, #tpu.memory_space<vmem>> -> memref<128xi32, #tpu.memory_space<vmem>>
        %dma_start3A_148 = arith.constant 0 : i32
        %dma_start3A_149 = tpu.memref_slice %arg13[%dma_start3A_148] : memref<10240xf32, #tpu.memory_space<vmem_shared>> -> memref<10240xf32, #tpu.memory_space<vmem_shared>>
        tpu.enqueue_indirect_dma source(%arg11 : memref<128xf32, #tpu.memory_space<vmem>>) target(%dma_start3A_149 : memref<10240xf32, #tpu.memory_space<vmem_shared>>) offsets(%dma_start3A_147 : memref<128xi32, #tpu.memory_space<vmem>>) semaphore(%run_scoped3A_144 : memref<!tpu.dma_semaphore, #tpu.memory_space<semaphore_mem>>) {add = true}
        %dma_wait3A_150 = arith.constant 0 : i32
        %dma_wait3A_151 = tpu.memref_slice %arg9[%add3A_130, %dma_wait3A_150] : memref<40x128xi32, #tpu.memory_space<vmem>> -> memref<1x128xi32, #tpu.memory_space<vmem>>
        %dma_wait3A_152 = tpu.memref_squeeze %dma_wait3A_151 : memref<1x128xi32, #tpu.memory_space<vmem>> -> memref<128xi32, #tpu.memory_space<vmem>>
        %dma_wait3A_153 = arith.constant 0 : i32
        %dma_wait3A_154 = tpu.memref_slice %arg13[%dma_wait3A_153] : memref<10240xf32, #tpu.memory_space<vmem_shared>> -> memref<10240xf32, #tpu.memory_space<vmem_shared>>
        tpu.wait_indirect_dma semaphore(%run_scoped3A_144 : memref<!tpu.dma_semaphore, #tpu.memory_space<semaphore_mem>>) src(%arg11 : memref<128xf32, #tpu.memory_space<vmem>>) dst(%dma_wait3A_154 : memref<10240xf32, #tpu.memory_space<vmem_shared>>)
        tpu.yield
      }) : () -> ()
      %scan3A_143 = arith.constant 0 : i32
      scf.yield %scan3A_143 : i32
    }
    %scan3A_68 = arith.constant 20 : i32
    %run_scoped3A_69 = arith.constant 0 : i32
    "tpu.region"() ({
      %run_scoped3A_99 = tpu.sem_alloc : memref<!tpu.dma_semaphore, #tpu.memory_space<semaphore_mem>>
      %dma_start3A_100 = arith.constant 40 : i32
      %dma_start3A_101 = arith.constant 0 : i32
      %dma_start3A_102 = tpu.memref_slice %arg3[%run_scoped3A_69, %add3A, %dma_start3A_100, %dma_start3A_101] : memref<2x32x80x128xi32, #tpu.memory_space<hbm>> -> memref<1x1x40x128xi32, #tpu.memory_space<hbm>>
      %dma_start3A_103 = tpu.memref_squeeze %dma_start3A_102 : memref<1x1x40x128xi32, #tpu.memory_space<hbm>> -> memref<40x128xi32, #tpu.memory_space<hbm>>
      %dma_start3A_104 = arith.constant 40 : i32
      %dma_start3A_105 = arith.constant 0 : i32
      %dma_start3A_106 = tpu.memref_slice %arg3[%run_scoped3A_69, %add3A, %dma_start3A_104, %dma_start3A_105] : memref<2x32x80x128xi32, #tpu.memory_space<hbm>> -> memref<1x1x40x128xi32, #tpu.memory_space<hbm>>
      %dma_start3A_107 = tpu.memref_squeeze %dma_start3A_106 : memref<1x1x40x128xi32, #tpu.memory_space<hbm>> -> memref<40x128xi32, #tpu.memory_space<hbm>>
      tpu.enqueue_dma source(%dma_start3A_107 : memref<40x128xi32, #tpu.memory_space<hbm>>) target(%arg8 : memref<40x128xi32, #tpu.memory_space<vmem>>) target_semaphore(%run_scoped3A_99 : memref<!tpu.dma_semaphore, #tpu.memory_space<semaphore_mem>>)
      %dma_wait3A = arith.constant 40 : i32
      %dma_wait3A_108 = arith.constant 0 : i32
      %dma_wait3A_109 = tpu.memref_slice %arg3[%run_scoped3A_69, %add3A, %dma_wait3A, %dma_wait3A_108] : memref<2x32x80x128xi32, #tpu.memory_space<hbm>> -> memref<1x1x40x128xi32, #tpu.memory_space<hbm>>
      %dma_wait3A_110 = tpu.memref_squeeze %dma_wait3A_109 : memref<1x1x40x128xi32, #tpu.memory_space<hbm>> -> memref<40x128xi32, #tpu.memory_space<hbm>>
      %dma_wait3A_111 = arith.constant 40 : i32
      %dma_wait3A_112 = arith.constant 0 : i32
      %dma_wait3A_113 = tpu.memref_slice %arg3[%run_scoped3A_69, %add3A, %dma_wait3A_111, %dma_wait3A_112] : memref<2x32x80x128xi32, #tpu.memory_space<hbm>> -> memref<1x1x40x128xi32, #tpu.memory_space<hbm>>
      %dma_wait3A_114 = tpu.memref_squeeze %dma_wait3A_113 : memref<1x1x40x128xi32, #tpu.memory_space<hbm>> -> memref<40x128xi32, #tpu.memory_space<hbm>>
      tpu.wait_dma2 semaphore(%run_scoped3A_99 : memref<!tpu.dma_semaphore, #tpu.memory_space<semaphore_mem>>) src(%dma_wait3A_114 : memref<40x128xi32, #tpu.memory_space<hbm>>) dst(%arg8 : memref<40x128xi32, #tpu.memory_space<vmem>>)
      tpu.yield
    }) : () -> ()
    %run_scoped3A_70 = arith.constant 1 : i32
    "tpu.region"() ({
      %run_scoped3A_99 = tpu.sem_alloc : memref<!tpu.dma_semaphore, #tpu.memory_space<semaphore_mem>>
      %dma_start3A_100 = arith.constant 40 : i32
      %dma_start3A_101 = arith.constant 0 : i32
      %dma_start3A_102 = tpu.memref_slice %arg3[%run_scoped3A_70, %add3A, %dma_start3A_100, %dma_start3A_101] : memref<2x32x80x128xi32, #tpu.memory_space<hbm>> -> memref<1x1x40x128xi32, #tpu.memory_space<hbm>>
      %dma_start3A_103 = tpu.memref_squeeze %dma_start3A_102 : memref<1x1x40x128xi32, #tpu.memory_space<hbm>> -> memref<40x128xi32, #tpu.memory_space<hbm>>
      %dma_start3A_104 = arith.constant 40 : i32
      %dma_start3A_105 = arith.constant 0 : i32
      %dma_start3A_106 = tpu.memref_slice %arg3[%run_scoped3A_70, %add3A, %dma_start3A_104, %dma_start3A_105] : memref<2x32x80x128xi32, #tpu.memory_space<hbm>> -> memref<1x1x40x128xi32, #tpu.memory_space<hbm>>
      %dma_start3A_107 = tpu.memref_squeeze %dma_start3A_106 : memref<1x1x40x128xi32, #tpu.memory_space<hbm>> -> memref<40x128xi32, #tpu.memory_space<hbm>>
      tpu.enqueue_dma source(%dma_start3A_107 : memref<40x128xi32, #tpu.memory_space<hbm>>) target(%arg9 : memref<40x128xi32, #tpu.memory_space<vmem>>) target_semaphore(%run_scoped3A_99 : memref<!tpu.dma_semaphore, #tpu.memory_space<semaphore_mem>>)
      %dma_wait3A = arith.constant 40 : i32
      %dma_wait3A_108 = arith.constant 0 : i32
      %dma_wait3A_109 = tpu.memref_slice %arg3[%run_scoped3A_70, %add3A, %dma_wait3A, %dma_wait3A_108] : memref<2x32x80x128xi32, #tpu.memory_space<hbm>> -> memref<1x1x40x128xi32, #tpu.memory_space<hbm>>
      %dma_wait3A_110 = tpu.memref_squeeze %dma_wait3A_109 : memref<1x1x40x128xi32, #tpu.memory_space<hbm>> -> memref<40x128xi32, #tpu.memory_space<hbm>>
      %dma_wait3A_111 = arith.constant 40 : i32
      %dma_wait3A_112 = arith.constant 0 : i32
      %dma_wait3A_113 = tpu.memref_slice %arg3[%run_scoped3A_70, %add3A, %dma_wait3A_111, %dma_wait3A_112] : memref<2x32x80x128xi32, #tpu.memory_space<hbm>> -> memref<1x1x40x128xi32, #tpu.memory_space<hbm>>
      %dma_wait3A_114 = tpu.memref_squeeze %dma_wait3A_113 : memref<1x1x40x128xi32, #tpu.memory_space<hbm>> -> memref<40x128xi32, #tpu.memory_space<hbm>>
      tpu.wait_dma2 semaphore(%run_scoped3A_99 : memref<!tpu.dma_semaphore, #tpu.memory_space<semaphore_mem>>) src(%dma_wait3A_114 : memref<40x128xi32, #tpu.memory_space<hbm>>) dst(%arg9 : memref<40x128xi32, #tpu.memory_space<vmem>>)
      tpu.yield
    }) : () -> ()
    %dma_start3A_71 = arith.constant 0 : i32
    %dma_start3A_72 = arith.constant 0 : i32
    %dma_start3A_73 = arith.constant 0 : i32
    %dma_start3A_74 = arith.constant 0 : i32
    %dma_start3A_75 = tpu.memref_slice %arg10[%dma_start3A_72, %dma_start3A_73, %dma_start3A_74] : memref<2x128x128xf32, #tpu.memory_space<vmem>> -> memref<1x128x128xf32, #tpu.memory_space<vmem>>
    %dma_start3A_76 = tpu.memref_squeeze %dma_start3A_75 : memref<1x128x128xf32, #tpu.memory_space<vmem>> -> memref<128x128xf32, #tpu.memory_space<vmem>>
    %dma_start3A_77 = arith.constant 0 : i32
    %dma_start3A_78 = tpu.memref_slice %arg8[%dma_start3A_71, %dma_start3A_77] : memref<40x128xi32, #tpu.memory_space<vmem>> -> memref<1x128xi32, #tpu.memory_space<vmem>>
    %dma_start3A_79 = tpu.memref_squeeze %dma_start3A_78 : memref<1x128xi32, #tpu.memory_space<vmem>> -> memref<128xi32, #tpu.memory_space<vmem>>
    %dma_start3A_80 = arith.constant 0 : i32
    %dma_start3A_81 = arith.constant 0 : i32
    %dma_start3A_82 = tpu.memref_slice %arg2[%dma_start3A_80, %dma_start3A_81] : memref<10000x128xf32, #tpu.memory_space<hbm>> -> memref<10000x128xf32, #tpu.memory_space<hbm>>
    tpu.enqueue_indirect_dma source(%dma_start3A_82 : memref<10000x128xf32, #tpu.memory_space<hbm>>) target(%dma_start3A_76 : memref<128x128xf32, #tpu.memory_space<vmem>>) offsets(%dma_start3A_79 : memref<128xi32, #tpu.memory_space<vmem>>) semaphore(%arg14 : memref<!tpu.dma_semaphore, #tpu.memory_space<semaphore_mem>>)
    %scan3A_83 = arith.constant 0 : i32
    %scan3A_84 = arith.constant 0 : i32
    %scan3A_85 = arith.constant 20 : i32
    %scan3A_86 = arith.addi %scan3A_84, %scan3A_85 : i32
    %scan3A_87 = arith.constant 1 : i32
    %scan3A_88 = scf.for %scan3A_99 = %scan3A_84 to %scan3A_86 step %scan3A_87 iter_args(%scan3A_100 = %scan3A_83) -> (i32)  : i32 {
      %mul3A_101 = arith.constant 2 : i32
      %mul3A_102 = arith.muli %mul3A_101, %scan3A_99 : i32
      %add3A_103 = arith.constant 1 : i32
      %add3A_104 = arith.addi %mul3A_102, %add3A_103 : i32
      %dma_start3A_105 = arith.constant 1 : i32
      %dma_start3A_106 = arith.constant 0 : i32
      %dma_start3A_107 = arith.constant 0 : i32
      %dma_start3A_108 = tpu.memref_slice %arg10[%dma_start3A_105, %dma_start3A_106, %dma_start3A_107] : memref<2x128x128xf32, #tpu.memory_space<vmem>> -> memref<1x128x128xf32, #tpu.memory_space<vmem>>
      %dma_start3A_109 = tpu.memref_squeeze %dma_start3A_108 : memref<1x128x128xf32, #tpu.memory_space<vmem>> -> memref<128x128xf32, #tpu.memory_space<vmem>>
      %dma_start3A_110 = arith.constant 0 : i32
      %dma_start3A_111 = tpu.memref_slice %arg8[%add3A_104, %dma_start3A_110] : memref<40x128xi32, #tpu.memory_space<vmem>> -> memref<1x128xi32, #tpu.memory_space<vmem>>
      %dma_start3A_112 = tpu.memref_squeeze %dma_start3A_111 : memref<1x128xi32, #tpu.memory_space<vmem>> -> memref<128xi32, #tpu.memory_space<vmem>>
      %dma_start3A_113 = arith.constant 0 : i32
      %dma_start3A_114 = arith.constant 0 : i32
      %dma_start3A_115 = tpu.memref_slice %arg2[%dma_start3A_113, %dma_start3A_114] : memref<10000x128xf32, #tpu.memory_space<hbm>> -> memref<10000x128xf32, #tpu.memory_space<hbm>>
      tpu.enqueue_indirect_dma source(%dma_start3A_115 : memref<10000x128xf32, #tpu.memory_space<hbm>>) target(%dma_start3A_109 : memref<128x128xf32, #tpu.memory_space<vmem>>) offsets(%dma_start3A_112 : memref<128xi32, #tpu.memory_space<vmem>>) semaphore(%arg15 : memref<!tpu.dma_semaphore, #tpu.memory_space<semaphore_mem>>)
      %dma_wait3A = arith.constant 0 : i32
      %dma_wait3A_116 = arith.constant 0 : i32
      %dma_wait3A_117 = arith.constant 0 : i32
      %dma_wait3A_118 = tpu.memref_slice %arg10[%dma_wait3A, %dma_wait3A_116, %dma_wait3A_117] : memref<2x128x128xf32, #tpu.memory_space<vmem>> -> memref<1x128x128xf32, #tpu.memory_space<vmem>>
      %dma_wait3A_119 = tpu.memref_squeeze %dma_wait3A_118 : memref<1x128x128xf32, #tpu.memory_space<vmem>> -> memref<128x128xf32, #tpu.memory_space<vmem>>
      %dma_wait3A_120 = arith.constant 0 : i32
      %dma_wait3A_121 = tpu.memref_slice %arg8[%mul3A_102, %dma_wait3A_120] : memref<40x128xi32, #tpu.memory_space<vmem>> -> memref<1x128xi32, #tpu.memory_space<vmem>>
      %dma_wait3A_122 = tpu.memref_squeeze %dma_wait3A_121 : memref<1x128xi32, #tpu.memory_space<vmem>> -> memref<128xi32, #tpu.memory_space<vmem>>
      %dma_wait3A_123 = arith.constant 0 : i32
      %dma_wait3A_124 = arith.constant 0 : i32
      %dma_wait3A_125 = tpu.memref_slice %arg2[%dma_wait3A_123, %dma_wait3A_124] : memref<10000x128xf32, #tpu.memory_space<hbm>> -> memref<10000x128xf32, #tpu.memory_space<hbm>>
      tpu.wait_indirect_dma semaphore(%arg14 : memref<!tpu.dma_semaphore, #tpu.memory_space<semaphore_mem>>) src(%dma_wait3A_125 : memref<10000x128xf32, #tpu.memory_space<hbm>>) dst(%dma_wait3A_119 : memref<128x128xf32, #tpu.memory_space<vmem>>)
      %run_scoped3A_126 = arith.constant 0 : i32
      "tpu.region"() ({
        %run_scoped3A_144 = tpu.sem_alloc : memref<!tpu.dma_semaphore, #tpu.memory_space<semaphore_mem>>
        %dma_start3A_145 = arith.constant 0 : i32
        %dma_start3A_146 = arith.constant 0 : i32
        %dma_start3A_147 = tpu.memref_slice %arg10[%run_scoped3A_126, %dma_start3A_145, %dma_start3A_146] : memref<2x128x128xf32, #tpu.memory_space<vmem>> -> memref<1x128x128xf32, #tpu.memory_space<vmem>>
        %dma_start3A_148 = tpu.memref_squeeze %dma_start3A_147 : memref<1x128x128xf32, #tpu.memory_space<vmem>> -> memref<128x128xf32, #tpu.memory_space<vmem>>
        %dma_start3A_149 = arith.constant 0 : i32
        %dma_start3A_150 = tpu.memref_slice %arg9[%mul3A_102, %dma_start3A_149] : memref<40x128xi32, #tpu.memory_space<vmem>> -> memref<1x128xi32, #tpu.memory_space<vmem>>
        %dma_start3A_151 = tpu.memref_squeeze %dma_start3A_150 : memref<1x128xi32, #tpu.memory_space<vmem>> -> memref<128xi32, #tpu.memory_space<vmem>>
        %dma_start3A_152 = arith.constant 0 : i32
        %dma_start3A_153 = arith.constant 0 : i32
        %dma_start3A_154 = tpu.memref_slice %arg12[%dma_start3A_152, %dma_start3A_153] : memref<10240x128xf32, #tpu.memory_space<vmem_shared>> -> memref<10240x128xf32, #tpu.memory_space<vmem_shared>>
        tpu.enqueue_indirect_dma source(%dma_start3A_148 : memref<128x128xf32, #tpu.memory_space<vmem>>) target(%dma_start3A_154 : memref<10240x128xf32, #tpu.memory_space<vmem_shared>>) offsets(%dma_start3A_151 : memref<128xi32, #tpu.memory_space<vmem>>) semaphore(%run_scoped3A_144 : memref<!tpu.dma_semaphore, #tpu.memory_space<semaphore_mem>>) {add = true}
        %dma_wait3A_155 = arith.constant 0 : i32
        %dma_wait3A_156 = arith.constant 0 : i32
        %dma_wait3A_157 = tpu.memref_slice %arg10[%run_scoped3A_126, %dma_wait3A_155, %dma_wait3A_156] : memref<2x128x128xf32, #tpu.memory_space<vmem>> -> memref<1x128x128xf32, #tpu.memory_space<vmem>>
        %dma_wait3A_158 = tpu.memref_squeeze %dma_wait3A_157 : memref<1x128x128xf32, #tpu.memory_space<vmem>> -> memref<128x128xf32, #tpu.memory_space<vmem>>
        %dma_wait3A_159 = arith.constant 0 : i32
        %dma_wait3A_160 = tpu.memref_slice %arg9[%mul3A_102, %dma_wait3A_159] : memref<40x128xi32, #tpu.memory_space<vmem>> -> memref<1x128xi32, #tpu.memory_space<vmem>>
        %dma_wait3A_161 = tpu.memref_squeeze %dma_wait3A_160 : memref<1x128xi32, #tpu.memory_space<vmem>> -> memref<128xi32, #tpu.memory_space<vmem>>
        %dma_wait3A_162 = arith.constant 0 : i32
        %dma_wait3A_163 = arith.constant 0 : i32
        %dma_wait3A_164 = tpu.memref_slice %arg12[%dma_wait3A_162, %dma_wait3A_163] : memref<10240x128xf32, #tpu.memory_space<vmem_shared>> -> memref<10240x128xf32, #tpu.memory_space<vmem_shared>>
        tpu.wait_indirect_dma semaphore(%run_scoped3A_144 : memref<!tpu.dma_semaphore, #tpu.memory_space<semaphore_mem>>) src(%dma_wait3A_158 : memref<128x128xf32, #tpu.memory_space<vmem>>) dst(%dma_wait3A_164 : memref<10240x128xf32, #tpu.memory_space<vmem_shared>>)
        tpu.yield
      }) : () -> ()
      "tpu.region"() ({
        %run_scoped3A_144 = tpu.sem_alloc : memref<!tpu.dma_semaphore, #tpu.memory_space<semaphore_mem>>
        %dma_start3A_145 = arith.constant 0 : i32
        %dma_start3A_146 = tpu.memref_slice %arg9[%mul3A_102, %dma_start3A_145] : memref<40x128xi32, #tpu.memory_space<vmem>> -> memref<1x128xi32, #tpu.memory_space<vmem>>
        %dma_start3A_147 = tpu.memref_squeeze %dma_start3A_146 : memref<1x128xi32, #tpu.memory_space<vmem>> -> memref<128xi32, #tpu.memory_space<vmem>>
        %dma_start3A_148 = arith.constant 0 : i32
        %dma_start3A_149 = tpu.memref_slice %arg13[%dma_start3A_148] : memref<10240xf32, #tpu.memory_space<vmem_shared>> -> memref<10240xf32, #tpu.memory_space<vmem_shared>>
        tpu.enqueue_indirect_dma source(%arg11 : memref<128xf32, #tpu.memory_space<vmem>>) target(%dma_start3A_149 : memref<10240xf32, #tpu.memory_space<vmem_shared>>) offsets(%dma_start3A_147 : memref<128xi32, #tpu.memory_space<vmem>>) semaphore(%run_scoped3A_144 : memref<!tpu.dma_semaphore, #tpu.memory_space<semaphore_mem>>) {add = true}
        %dma_wait3A_150 = arith.constant 0 : i32
        %dma_wait3A_151 = tpu.memref_slice %arg9[%mul3A_102, %dma_wait3A_150] : memref<40x128xi32, #tpu.memory_space<vmem>> -> memref<1x128xi32, #tpu.memory_space<vmem>>
        %dma_wait3A_152 = tpu.memref_squeeze %dma_wait3A_151 : memref<1x128xi32, #tpu.memory_space<vmem>> -> memref<128xi32, #tpu.memory_space<vmem>>
        %dma_wait3A_153 = arith.constant 0 : i32
        %dma_wait3A_154 = tpu.memref_slice %arg13[%dma_wait3A_153] : memref<10240xf32, #tpu.memory_space<vmem_shared>> -> memref<10240xf32, #tpu.memory_space<vmem_shared>>
        tpu.wait_indirect_dma semaphore(%run_scoped3A_144 : memref<!tpu.dma_semaphore, #tpu.memory_space<semaphore_mem>>) src(%arg11 : memref<128xf32, #tpu.memory_space<vmem>>) dst(%dma_wait3A_154 : memref<10240xf32, #tpu.memory_space<vmem_shared>>)
        tpu.yield
      }) : () -> ()
      %lt3A = arith.constant 19 : i32
      %lt3A_127 = arith.cmpi slt, %scan3A_99, %lt3A : i32
      %convert_element_type3A = arith.extui %lt3A_127 : i1 to i32
      %cond3A = arith.constant 0 : i32
      %cond3A_128 = arith.cmpi ne, %convert_element_type3A, %cond3A : i32
      scf.if %cond3A_128 {
        %add3A_144 = arith.constant 2 : i32
        %add3A_145 = arith.addi %mul3A_102, %add3A_144 : i32
        %dma_start3A_146 = arith.constant 0 : i32
        %dma_start3A_147 = arith.constant 0 : i32
        %dma_start3A_148 = arith.constant 0 : i32
        %dma_start3A_149 = tpu.memref_slice %arg10[%dma_start3A_146, %dma_start3A_147, %dma_start3A_148] : memref<2x128x128xf32, #tpu.memory_space<vmem>> -> memref<1x128x128xf32, #tpu.memory_space<vmem>>
        %dma_start3A_150 = tpu.memref_squeeze %dma_start3A_149 : memref<1x128x128xf32, #tpu.memory_space<vmem>> -> memref<128x128xf32, #tpu.memory_space<vmem>>
        %dma_start3A_151 = arith.constant 0 : i32
        %dma_start3A_152 = tpu.memref_slice %arg8[%add3A_145, %dma_start3A_151] : memref<40x128xi32, #tpu.memory_space<vmem>> -> memref<1x128xi32, #tpu.memory_space<vmem>>
        %dma_start3A_153 = tpu.memref_squeeze %dma_start3A_152 : memref<1x128xi32, #tpu.memory_space<vmem>> -> memref<128xi32, #tpu.memory_space<vmem>>
        %dma_start3A_154 = arith.constant 0 : i32
        %dma_start3A_155 = arith.constant 0 : i32
        %dma_start3A_156 = tpu.memref_slice %arg2[%dma_start3A_154, %dma_start3A_155] : memref<10000x128xf32, #tpu.memory_space<hbm>> -> memref<10000x128xf32, #tpu.memory_space<hbm>>
        tpu.enqueue_indirect_dma source(%dma_start3A_156 : memref<10000x128xf32, #tpu.memory_space<hbm>>) target(%dma_start3A_150 : memref<128x128xf32, #tpu.memory_space<vmem>>) offsets(%dma_start3A_153 : memref<128xi32, #tpu.memory_space<vmem>>) semaphore(%arg14 : memref<!tpu.dma_semaphore, #tpu.memory_space<semaphore_mem>>)
      } else {
      }
      %add3A_129 = arith.constant 1 : i32
      %add3A_130 = arith.addi %mul3A_102, %add3A_129 : i32
      %dma_wait3A_131 = arith.constant 1 : i32
      %dma_wait3A_132 = arith.constant 0 : i32
      %dma_wait3A_133 = arith.constant 0 : i32
      %dma_wait3A_134 = tpu.memref_slice %arg10[%dma_wait3A_131, %dma_wait3A_132, %dma_wait3A_133] : memref<2x128x128xf32, #tpu.memory_space<vmem>> -> memref<1x128x128xf32, #tpu.memory_space<vmem>>
      %dma_wait3A_135 = tpu.memref_squeeze %dma_wait3A_134 : memref<1x128x128xf32, #tpu.memory_space<vmem>> -> memref<128x128xf32, #tpu.memory_space<vmem>>
      %dma_wait3A_136 = arith.constant 0 : i32
      %dma_wait3A_137 = tpu.memref_slice %arg8[%add3A_130, %dma_wait3A_136] : memref<40x128xi32, #tpu.memory_space<vmem>> -> memref<1x128xi32, #tpu.memory_space<vmem>>
      %dma_wait3A_138 = tpu.memref_squeeze %dma_wait3A_137 : memref<1x128xi32, #tpu.memory_space<vmem>> -> memref<128xi32, #tpu.memory_space<vmem>>
      %dma_wait3A_139 = arith.constant 0 : i32
      %dma_wait3A_140 = arith.constant 0 : i32
      %dma_wait3A_141 = tpu.memref_slice %arg2[%dma_wait3A_139, %dma_wait3A_140] : memref<10000x128xf32, #tpu.memory_space<hbm>> -> memref<10000x128xf32, #tpu.memory_space<hbm>>
      tpu.wait_indirect_dma semaphore(%arg15 : memref<!tpu.dma_semaphore, #tpu.memory_space<semaphore_mem>>) src(%dma_wait3A_141 : memref<10000x128xf32, #tpu.memory_space<hbm>>) dst(%dma_wait3A_135 : memref<128x128xf32, #tpu.memory_space<vmem>>)
      %run_scoped3A_142 = arith.constant 1 : i32
      "tpu.region"() ({
        %run_scoped3A_144 = tpu.sem_alloc : memref<!tpu.dma_semaphore, #tpu.memory_space<semaphore_mem>>
        %dma_start3A_145 = arith.constant 0 : i32
        %dma_start3A_146 = arith.constant 0 : i32
        %dma_start3A_147 = tpu.memref_slice %arg10[%run_scoped3A_142, %dma_start3A_145, %dma_start3A_146] : memref<2x128x128xf32, #tpu.memory_space<vmem>> -> memref<1x128x128xf32, #tpu.memory_space<vmem>>
        %dma_start3A_148 = tpu.memref_squeeze %dma_start3A_147 : memref<1x128x128xf32, #tpu.memory_space<vmem>> -> memref<128x128xf32, #tpu.memory_space<vmem>>
        %dma_start3A_149 = arith.constant 0 : i32
        %dma_start3A_150 = tpu.memref_slice %arg9[%add3A_130, %dma_start3A_149] : memref<40x128xi32, #tpu.memory_space<vmem>> -> memref<1x128xi32, #tpu.memory_space<vmem>>
        %dma_start3A_151 = tpu.memref_squeeze %dma_start3A_150 : memref<1x128xi32, #tpu.memory_space<vmem>> -> memref<128xi32, #tpu.memory_space<vmem>>
        %dma_start3A_152 = arith.constant 0 : i32
        %dma_start3A_153 = arith.constant 0 : i32
        %dma_start3A_154 = tpu.memref_slice %arg12[%dma_start3A_152, %dma_start3A_153] : memref<10240x128xf32, #tpu.memory_space<vmem_shared>> -> memref<10240x128xf32, #tpu.memory_space<vmem_shared>>
        tpu.enqueue_indirect_dma source(%dma_start3A_148 : memref<128x128xf32, #tpu.memory_space<vmem>>) target(%dma_start3A_154 : memref<10240x128xf32, #tpu.memory_space<vmem_shared>>) offsets(%dma_start3A_151 : memref<128xi32, #tpu.memory_space<vmem>>) semaphore(%run_scoped3A_144 : memref<!tpu.dma_semaphore, #tpu.memory_space<semaphore_mem>>) {add = true}
        %dma_wait3A_155 = arith.constant 0 : i32
        %dma_wait3A_156 = arith.constant 0 : i32
        %dma_wait3A_157 = tpu.memref_slice %arg10[%run_scoped3A_142, %dma_wait3A_155, %dma_wait3A_156] : memref<2x128x128xf32, #tpu.memory_space<vmem>> -> memref<1x128x128xf32, #tpu.memory_space<vmem>>
        %dma_wait3A_158 = tpu.memref_squeeze %dma_wait3A_157 : memref<1x128x128xf32, #tpu.memory_space<vmem>> -> memref<128x128xf32, #tpu.memory_space<vmem>>
        %dma_wait3A_159 = arith.constant 0 : i32
        %dma_wait3A_160 = tpu.memref_slice %arg9[%add3A_130, %dma_wait3A_159] : memref<40x128xi32, #tpu.memory_space<vmem>> -> memref<1x128xi32, #tpu.memory_space<vmem>>
        %dma_wait3A_161 = tpu.memref_squeeze %dma_wait3A_160 : memref<1x128xi32, #tpu.memory_space<vmem>> -> memref<128xi32, #tpu.memory_space<vmem>>
        %dma_wait3A_162 = arith.constant 0 : i32
        %dma_wait3A_163 = arith.constant 0 : i32
        %dma_wait3A_164 = tpu.memref_slice %arg12[%dma_wait3A_162, %dma_wait3A_163] : memref<10240x128xf32, #tpu.memory_space<vmem_shared>> -> memref<10240x128xf32, #tpu.memory_space<vmem_shared>>
        tpu.wait_indirect_dma semaphore(%run_scoped3A_144 : memref<!tpu.dma_semaphore, #tpu.memory_space<semaphore_mem>>) src(%dma_wait3A_158 : memref<128x128xf32, #tpu.memory_space<vmem>>) dst(%dma_wait3A_164 : memref<10240x128xf32, #tpu.memory_space<vmem_shared>>)
        tpu.yield
      }) : () -> ()
      "tpu.region"() ({
        %run_scoped3A_144 = tpu.sem_alloc : memref<!tpu.dma_semaphore, #tpu.memory_space<semaphore_mem>>
        %dma_start3A_145 = arith.constant 0 : i32
        %dma_start3A_146 = tpu.memref_slice %arg9[%add3A_130, %dma_start3A_145] : memref<40x128xi32, #tpu.memory_space<vmem>> -> memref<1x128xi32, #tpu.memory_space<vmem>>
        %dma_start3A_147 = tpu.memref_squeeze %dma_start3A_146 : memref<1x128xi32, #tpu.memory_space<vmem>> -> memref<128xi32, #tpu.memory_space<vmem>>
        %dma_start3A_148 = arith.constant 0 : i32
        %dma_start3A_149 = tpu.memref_slice %arg13[%dma_start3A_148] : memref<10240xf32, #tpu.memory_space<vmem_shared>> -> memref<10240xf32, #tpu.memory_space<vmem_shared>>
        tpu.enqueue_indirect_dma source(%arg11 : memref<128xf32, #tpu.memory_space<vmem>>) target(%dma_start3A_149 : memref<10240xf32, #tpu.memory_space<vmem_shared>>) offsets(%dma_start3A_147 : memref<128xi32, #tpu.memory_space<vmem>>) semaphore(%run_scoped3A_144 : memref<!tpu.dma_semaphore, #tpu.memory_space<semaphore_mem>>) {add = true}
        %dma_wait3A_150 = arith.constant 0 : i32
        %dma_wait3A_151 = tpu.memref_slice %arg9[%add3A_130, %dma_wait3A_150] : memref<40x128xi32, #tpu.memory_space<vmem>> -> memref<1x128xi32, #tpu.memory_space<vmem>>
        %dma_wait3A_152 = tpu.memref_squeeze %dma_wait3A_151 : memref<1x128xi32, #tpu.memory_space<vmem>> -> memref<128xi32, #tpu.memory_space<vmem>>
        %dma_wait3A_153 = arith.constant 0 : i32
        %dma_wait3A_154 = tpu.memref_slice %arg13[%dma_wait3A_153] : memref<10240xf32, #tpu.memory_space<vmem_shared>> -> memref<10240xf32, #tpu.memory_space<vmem_shared>>
        tpu.wait_indirect_dma semaphore(%run_scoped3A_144 : memref<!tpu.dma_semaphore, #tpu.memory_space<semaphore_mem>>) src(%arg11 : memref<128xf32, #tpu.memory_space<vmem>>) dst(%dma_wait3A_154 : memref<10240xf32, #tpu.memory_space<vmem_shared>>)
        tpu.yield
      }) : () -> ()
      %scan3A_143 = arith.constant 0 : i32
      scf.yield %scan3A_143 : i32
    }
    %scan3A_89 = arith.constant 20 : i32
    %barrier3A_90 = arith.constant 0 : index
    tpu.barrier barrier_id(%barrier3A_90)
    %mul3A_91 = arith.constant 640 : i32
    %mul3A_92 = arith.muli %arg1, %mul3A_91 : i32
    %mul3A_93 = arith.constant 640 : i32
    %mul3A_94 = arith.muli %arg1, %mul3A_93 : i32
    "tpu.region"() ({
      %run_scoped3A_99 = tpu.sem_alloc : memref<!tpu.dma_semaphore, #tpu.memory_space<semaphore_mem>>
      %dma_start3A_100 = arith.constant 0 : i32
      %dma_start3A_101 = tpu.memref_slice %arg6[%arg0, %mul3A_94, %dma_start3A_100] : memref<2x10240x128xf32, #tpu.memory_space<hbm>> -> memref<1x640x128xf32, #tpu.memory_space<hbm>>
      %dma_start3A_102 = tpu.memref_squeeze %dma_start3A_101 : memref<1x640x128xf32, #tpu.memory_space<hbm>> -> memref<640x128xf32, #tpu.memory_space<hbm>>
      %dma_start3A_103 = arith.constant 0 : i32
      %dma_start3A_104 = tpu.memref_slice %arg12[%mul3A_92, %dma_start3A_103] : memref<10240x128xf32, #tpu.memory_space<vmem_shared>> -> memref<640x128xf32, #tpu.memory_space<vmem_shared>>
      tpu.enqueue_dma source(%dma_start3A_104 : memref<640x128xf32, #tpu.memory_space<vmem_shared>>) target(%dma_start3A_102 : memref<640x128xf32, #tpu.memory_space<hbm>>) target_semaphore(%run_scoped3A_99 : memref<!tpu.dma_semaphore, #tpu.memory_space<semaphore_mem>>)
      %dma_wait3A = arith.constant 0 : i32
      %dma_wait3A_105 = tpu.memref_slice %arg6[%arg0, %mul3A_94, %dma_wait3A] : memref<2x10240x128xf32, #tpu.memory_space<hbm>> -> memref<1x640x128xf32, #tpu.memory_space<hbm>>
      %dma_wait3A_106 = tpu.memref_squeeze %dma_wait3A_105 : memref<1x640x128xf32, #tpu.memory_space<hbm>> -> memref<640x128xf32, #tpu.memory_space<hbm>>
      %dma_wait3A_107 = arith.constant 0 : i32
      %dma_wait3A_108 = tpu.memref_slice %arg12[%mul3A_92, %dma_wait3A_107] : memref<10240x128xf32, #tpu.memory_space<vmem_shared>> -> memref<640x128xf32, #tpu.memory_space<vmem_shared>>
      tpu.wait_dma2 semaphore(%run_scoped3A_99 : memref<!tpu.dma_semaphore, #tpu.memory_space<semaphore_mem>>) src(%dma_wait3A_108 : memref<640x128xf32, #tpu.memory_space<vmem_shared>>) dst(%dma_wait3A_106 : memref<640x128xf32, #tpu.memory_space<hbm>>)
      tpu.yield
    }) : () -> ()
    %mul3A_95 = arith.constant 640 : i32
    %mul3A_96 = arith.muli %arg1, %mul3A_95 : i32
    %mul3A_97 = arith.constant 640 : i32
    %mul3A_98 = arith.muli %arg1, %mul3A_97 : i32
    "tpu.region"() ({
      %run_scoped3A_99 = tpu.sem_alloc : memref<!tpu.dma_semaphore, #tpu.memory_space<semaphore_mem>>
      %dma_start3A_100 = tpu.memref_slice %arg7[%arg0, %mul3A_98] : memref<2x10240xf32, #tpu.memory_space<hbm>> -> memref<1x640xf32, #tpu.memory_space<hbm>>
      %dma_start3A_101 = tpu.memref_squeeze %dma_start3A_100 : memref<1x640xf32, #tpu.memory_space<hbm>> -> memref<640xf32, #tpu.memory_space<hbm>>
      %dma_start3A_102 = tpu.memref_slice %arg13[%mul3A_96] : memref<10240xf32, #tpu.memory_space<vmem_shared>> -> memref<640xf32, #tpu.memory_space<vmem_shared>>
      tpu.enqueue_dma source(%dma_start3A_102 : memref<640xf32, #tpu.memory_space<vmem_shared>>) target(%dma_start3A_101 : memref<640xf32, #tpu.memory_space<hbm>>) target_semaphore(%run_scoped3A_99 : memref<!tpu.dma_semaphore, #tpu.memory_space<semaphore_mem>>)
      %dma_wait3A = tpu.memref_slice %arg7[%arg0, %mul3A_98] : memref<2x10240xf32, #tpu.memory_space<hbm>> -> memref<1x640xf32, #tpu.memory_space<hbm>>
      %dma_wait3A_103 = tpu.memref_squeeze %dma_wait3A : memref<1x640xf32, #tpu.memory_space<hbm>> -> memref<640xf32, #tpu.memory_space<hbm>>
      %dma_wait3A_104 = tpu.memref_slice %arg13[%mul3A_96] : memref<10240xf32, #tpu.memory_space<vmem_shared>> -> memref<640xf32, #tpu.memory_space<vmem_shared>>
      tpu.wait_dma2 semaphore(%run_scoped3A_99 : memref<!tpu.dma_semaphore, #tpu.memory_space<semaphore_mem>>) src(%dma_wait3A_104 : memref<640xf32, #tpu.memory_space<vmem_shared>>) dst(%dma_wait3A_103 : memref<640xf32, #tpu.memory_space<hbm>>)
      tpu.yield
    }) : () -> ()
    return
  }
}

#map = affine_map<(d0, d1) -> (0, 0)>
#map1 = affine_map<(d0, d1) -> (0, 0, 0, 0)>
#map2 = affine_map<(d0, d1) -> (0, 0, 0)>
module attributes {stable_mosaic.version = 14 : i64} {
  func.func @_sc_agg_body(%arg0: i32, %arg1: i32, %arg2: memref<10000x128xf32, #tpu.memory_space<hbm>>, %arg3: memref<2x32x80x128xi32, #tpu.memory_space<hbm>>, %arg4: memref<640x128xf32, #tpu.memory_space<hbm>>, %arg5: memref<2x10240x128xf32, #tpu.memory_space<hbm>>, %arg6: memref<40x128xi32, #tpu.memory_space<vmem>>, %arg7: memref<40x128xi32, #tpu.memory_space<vmem>>, %arg8: memref<2x128x128xf32, #tpu.memory_space<vmem>>, %arg9: memref<10240x128xf32, #tpu.memory_space<vmem_shared>>, %arg10: memref<!tpu.dma_semaphore, #tpu.memory_space<semaphore_mem>>, %arg11: memref<!tpu.dma_semaphore, #tpu.memory_space<semaphore_mem>>) attributes {dimension_semantics = [#tpu.dimension_semantics<core_parallel>, #tpu.dimension_semantics<subcore_parallel>], iteration_bounds = array<i64: 2, 16>, scalar_prefetch = 0 : i64, scratch_operands = 6 : i64, tpu.core_type = #tpu.core_type<sc_vector_subcore>, window_params = [{transform_indices = #map}, {transform_indices = #map1}, {transform_indices = #map}, {transform_indices = #map2}]} {
    %mul3A = arith.constant 2 : i32
    %mul3A_0 = arith.muli %arg1, %mul3A : i32
    %add3A = arith.addi %mul3A_0, %arg0 : i32
    %mul3A_1 = arith.constant 640 : i32
    %mul3A_2 = arith.muli %arg1, %mul3A_1 : i32
    "tpu.region"() ({
      %run_scoped3A_47 = tpu.sem_alloc : memref<!tpu.dma_semaphore, #tpu.memory_space<semaphore_mem>>
      %dma_start3A_48 = arith.constant 0 : i32
      %dma_start3A_49 = tpu.memref_slice %arg9[%mul3A_2, %dma_start3A_48] : memref<10240x128xf32, #tpu.memory_space<vmem_shared>> -> memref<640x128xf32, #tpu.memory_space<vmem_shared>>
      tpu.enqueue_dma source(%arg4 : memref<640x128xf32, #tpu.memory_space<hbm>>) target(%dma_start3A_49 : memref<640x128xf32, #tpu.memory_space<vmem_shared>>) target_semaphore(%run_scoped3A_47 : memref<!tpu.dma_semaphore, #tpu.memory_space<semaphore_mem>>)
      %dma_wait3A = arith.constant 0 : i32
      %dma_wait3A_50 = tpu.memref_slice %arg9[%mul3A_2, %dma_wait3A] : memref<10240x128xf32, #tpu.memory_space<vmem_shared>> -> memref<640x128xf32, #tpu.memory_space<vmem_shared>>
      tpu.wait_dma2 semaphore(%run_scoped3A_47 : memref<!tpu.dma_semaphore, #tpu.memory_space<semaphore_mem>>) src(%arg4 : memref<640x128xf32, #tpu.memory_space<hbm>>) dst(%dma_wait3A_50 : memref<640x128xf32, #tpu.memory_space<vmem_shared>>)
      tpu.yield
    }) : () -> ()
    %barrier3A = arith.constant 0 : index
    tpu.barrier barrier_id(%barrier3A)
    %run_scoped3A = arith.constant 0 : i32
    "tpu.region"() ({
      %run_scoped3A_47 = tpu.sem_alloc : memref<!tpu.dma_semaphore, #tpu.memory_space<semaphore_mem>>
      %dma_start3A_48 = arith.constant 0 : i32
      %dma_start3A_49 = arith.constant 0 : i32
      %dma_start3A_50 = tpu.memref_slice %arg3[%run_scoped3A, %add3A, %dma_start3A_48, %dma_start3A_49] : memref<2x32x80x128xi32, #tpu.memory_space<hbm>> -> memref<1x1x40x128xi32, #tpu.memory_space<hbm>>
      %dma_start3A_51 = tpu.memref_squeeze %dma_start3A_50 : memref<1x1x40x128xi32, #tpu.memory_space<hbm>> -> memref<40x128xi32, #tpu.memory_space<hbm>>
      %dma_start3A_52 = arith.constant 0 : i32
      %dma_start3A_53 = arith.constant 0 : i32
      %dma_start3A_54 = tpu.memref_slice %arg3[%run_scoped3A, %add3A, %dma_start3A_52, %dma_start3A_53] : memref<2x32x80x128xi32, #tpu.memory_space<hbm>> -> memref<1x1x40x128xi32, #tpu.memory_space<hbm>>
      %dma_start3A_55 = tpu.memref_squeeze %dma_start3A_54 : memref<1x1x40x128xi32, #tpu.memory_space<hbm>> -> memref<40x128xi32, #tpu.memory_space<hbm>>
      tpu.enqueue_dma source(%dma_start3A_55 : memref<40x128xi32, #tpu.memory_space<hbm>>) target(%arg6 : memref<40x128xi32, #tpu.memory_space<vmem>>) target_semaphore(%run_scoped3A_47 : memref<!tpu.dma_semaphore, #tpu.memory_space<semaphore_mem>>)
      %dma_wait3A = arith.constant 0 : i32
      %dma_wait3A_56 = arith.constant 0 : i32
      %dma_wait3A_57 = tpu.memref_slice %arg3[%run_scoped3A, %add3A, %dma_wait3A, %dma_wait3A_56] : memref<2x32x80x128xi32, #tpu.memory_space<hbm>> -> memref<1x1x40x128xi32, #tpu.memory_space<hbm>>
      %dma_wait3A_58 = tpu.memref_squeeze %dma_wait3A_57 : memref<1x1x40x128xi32, #tpu.memory_space<hbm>> -> memref<40x128xi32, #tpu.memory_space<hbm>>
      %dma_wait3A_59 = arith.constant 0 : i32
      %dma_wait3A_60 = arith.constant 0 : i32
      %dma_wait3A_61 = tpu.memref_slice %arg3[%run_scoped3A, %add3A, %dma_wait3A_59, %dma_wait3A_60] : memref<2x32x80x128xi32, #tpu.memory_space<hbm>> -> memref<1x1x40x128xi32, #tpu.memory_space<hbm>>
      %dma_wait3A_62 = tpu.memref_squeeze %dma_wait3A_61 : memref<1x1x40x128xi32, #tpu.memory_space<hbm>> -> memref<40x128xi32, #tpu.memory_space<hbm>>
      tpu.wait_dma2 semaphore(%run_scoped3A_47 : memref<!tpu.dma_semaphore, #tpu.memory_space<semaphore_mem>>) src(%dma_wait3A_62 : memref<40x128xi32, #tpu.memory_space<hbm>>) dst(%arg6 : memref<40x128xi32, #tpu.memory_space<vmem>>)
      tpu.yield
    }) : () -> ()
    %run_scoped3A_3 = arith.constant 1 : i32
    "tpu.region"() ({
      %run_scoped3A_47 = tpu.sem_alloc : memref<!tpu.dma_semaphore, #tpu.memory_space<semaphore_mem>>
      %dma_start3A_48 = arith.constant 0 : i32
      %dma_start3A_49 = arith.constant 0 : i32
      %dma_start3A_50 = tpu.memref_slice %arg3[%run_scoped3A_3, %add3A, %dma_start3A_48, %dma_start3A_49] : memref<2x32x80x128xi32, #tpu.memory_space<hbm>> -> memref<1x1x40x128xi32, #tpu.memory_space<hbm>>
      %dma_start3A_51 = tpu.memref_squeeze %dma_start3A_50 : memref<1x1x40x128xi32, #tpu.memory_space<hbm>> -> memref<40x128xi32, #tpu.memory_space<hbm>>
      %dma_start3A_52 = arith.constant 0 : i32
      %dma_start3A_53 = arith.constant 0 : i32
      %dma_start3A_54 = tpu.memref_slice %arg3[%run_scoped3A_3, %add3A, %dma_start3A_52, %dma_start3A_53] : memref<2x32x80x128xi32, #tpu.memory_space<hbm>> -> memref<1x1x40x128xi32, #tpu.memory_space<hbm>>
      %dma_start3A_55 = tpu.memref_squeeze %dma_start3A_54 : memref<1x1x40x128xi32, #tpu.memory_space<hbm>> -> memref<40x128xi32, #tpu.memory_space<hbm>>
      tpu.enqueue_dma source(%dma_start3A_55 : memref<40x128xi32, #tpu.memory_space<hbm>>) target(%arg7 : memref<40x128xi32, #tpu.memory_space<vmem>>) target_semaphore(%run_scoped3A_47 : memref<!tpu.dma_semaphore, #tpu.memory_space<semaphore_mem>>)
      %dma_wait3A = arith.constant 0 : i32
      %dma_wait3A_56 = arith.constant 0 : i32
      %dma_wait3A_57 = tpu.memref_slice %arg3[%run_scoped3A_3, %add3A, %dma_wait3A, %dma_wait3A_56] : memref<2x32x80x128xi32, #tpu.memory_space<hbm>> -> memref<1x1x40x128xi32, #tpu.memory_space<hbm>>
      %dma_wait3A_58 = tpu.memref_squeeze %dma_wait3A_57 : memref<1x1x40x128xi32, #tpu.memory_space<hbm>> -> memref<40x128xi32, #tpu.memory_space<hbm>>
      %dma_wait3A_59 = arith.constant 0 : i32
      %dma_wait3A_60 = arith.constant 0 : i32
      %dma_wait3A_61 = tpu.memref_slice %arg3[%run_scoped3A_3, %add3A, %dma_wait3A_59, %dma_wait3A_60] : memref<2x32x80x128xi32, #tpu.memory_space<hbm>> -> memref<1x1x40x128xi32, #tpu.memory_space<hbm>>
      %dma_wait3A_62 = tpu.memref_squeeze %dma_wait3A_61 : memref<1x1x40x128xi32, #tpu.memory_space<hbm>> -> memref<40x128xi32, #tpu.memory_space<hbm>>
      tpu.wait_dma2 semaphore(%run_scoped3A_47 : memref<!tpu.dma_semaphore, #tpu.memory_space<semaphore_mem>>) src(%dma_wait3A_62 : memref<40x128xi32, #tpu.memory_space<hbm>>) dst(%arg7 : memref<40x128xi32, #tpu.memory_space<vmem>>)
      tpu.yield
    }) : () -> ()
    %dma_start3A = arith.constant 0 : i32
    %dma_start3A_4 = arith.constant 0 : i32
    %dma_start3A_5 = arith.constant 0 : i32
    %dma_start3A_6 = arith.constant 0 : i32
    %dma_start3A_7 = tpu.memref_slice %arg8[%dma_start3A_4, %dma_start3A_5, %dma_start3A_6] : memref<2x128x128xf32, #tpu.memory_space<vmem>> -> memref<1x128x128xf32, #tpu.memory_space<vmem>>
    %dma_start3A_8 = tpu.memref_squeeze %dma_start3A_7 : memref<1x128x128xf32, #tpu.memory_space<vmem>> -> memref<128x128xf32, #tpu.memory_space<vmem>>
    %dma_start3A_9 = arith.constant 0 : i32
    %dma_start3A_10 = tpu.memref_slice %arg6[%dma_start3A, %dma_start3A_9] : memref<40x128xi32, #tpu.memory_space<vmem>> -> memref<1x128xi32, #tpu.memory_space<vmem>>
    %dma_start3A_11 = tpu.memref_squeeze %dma_start3A_10 : memref<1x128xi32, #tpu.memory_space<vmem>> -> memref<128xi32, #tpu.memory_space<vmem>>
    %dma_start3A_12 = arith.constant 0 : i32
    %dma_start3A_13 = arith.constant 0 : i32
    %dma_start3A_14 = tpu.memref_slice %arg2[%dma_start3A_12, %dma_start3A_13] : memref<10000x128xf32, #tpu.memory_space<hbm>> -> memref<10000x128xf32, #tpu.memory_space<hbm>>
    tpu.enqueue_indirect_dma source(%dma_start3A_14 : memref<10000x128xf32, #tpu.memory_space<hbm>>) target(%dma_start3A_8 : memref<128x128xf32, #tpu.memory_space<vmem>>) offsets(%dma_start3A_11 : memref<128xi32, #tpu.memory_space<vmem>>) semaphore(%arg10 : memref<!tpu.dma_semaphore, #tpu.memory_space<semaphore_mem>>)
    %scan3A = arith.constant 0 : i32
    %scan3A_15 = arith.constant 0 : i32
    %scan3A_16 = arith.constant 20 : i32
    %scan3A_17 = arith.addi %scan3A_15, %scan3A_16 : i32
    %scan3A_18 = arith.constant 1 : i32
    %scan3A_19 = scf.for %scan3A_47 = %scan3A_15 to %scan3A_17 step %scan3A_18 iter_args(%scan3A_48 = %scan3A) -> (i32)  : i32 {
      %mul3A_49 = arith.constant 2 : i32
      %mul3A_50 = arith.muli %mul3A_49, %scan3A_47 : i32
      %add3A_51 = arith.constant 1 : i32
      %add3A_52 = arith.addi %mul3A_50, %add3A_51 : i32
      %dma_start3A_53 = arith.constant 1 : i32
      %dma_start3A_54 = arith.constant 0 : i32
      %dma_start3A_55 = arith.constant 0 : i32
      %dma_start3A_56 = tpu.memref_slice %arg8[%dma_start3A_53, %dma_start3A_54, %dma_start3A_55] : memref<2x128x128xf32, #tpu.memory_space<vmem>> -> memref<1x128x128xf32, #tpu.memory_space<vmem>>
      %dma_start3A_57 = tpu.memref_squeeze %dma_start3A_56 : memref<1x128x128xf32, #tpu.memory_space<vmem>> -> memref<128x128xf32, #tpu.memory_space<vmem>>
      %dma_start3A_58 = arith.constant 0 : i32
      %dma_start3A_59 = tpu.memref_slice %arg6[%add3A_52, %dma_start3A_58] : memref<40x128xi32, #tpu.memory_space<vmem>> -> memref<1x128xi32, #tpu.memory_space<vmem>>
      %dma_start3A_60 = tpu.memref_squeeze %dma_start3A_59 : memref<1x128xi32, #tpu.memory_space<vmem>> -> memref<128xi32, #tpu.memory_space<vmem>>
      %dma_start3A_61 = arith.constant 0 : i32
      %dma_start3A_62 = arith.constant 0 : i32
      %dma_start3A_63 = tpu.memref_slice %arg2[%dma_start3A_61, %dma_start3A_62] : memref<10000x128xf32, #tpu.memory_space<hbm>> -> memref<10000x128xf32, #tpu.memory_space<hbm>>
      tpu.enqueue_indirect_dma source(%dma_start3A_63 : memref<10000x128xf32, #tpu.memory_space<hbm>>) target(%dma_start3A_57 : memref<128x128xf32, #tpu.memory_space<vmem>>) offsets(%dma_start3A_60 : memref<128xi32, #tpu.memory_space<vmem>>) semaphore(%arg11 : memref<!tpu.dma_semaphore, #tpu.memory_space<semaphore_mem>>)
      %dma_wait3A = arith.constant 0 : i32
      %dma_wait3A_64 = arith.constant 0 : i32
      %dma_wait3A_65 = arith.constant 0 : i32
      %dma_wait3A_66 = tpu.memref_slice %arg8[%dma_wait3A, %dma_wait3A_64, %dma_wait3A_65] : memref<2x128x128xf32, #tpu.memory_space<vmem>> -> memref<1x128x128xf32, #tpu.memory_space<vmem>>
      %dma_wait3A_67 = tpu.memref_squeeze %dma_wait3A_66 : memref<1x128x128xf32, #tpu.memory_space<vmem>> -> memref<128x128xf32, #tpu.memory_space<vmem>>
      %dma_wait3A_68 = arith.constant 0 : i32
      %dma_wait3A_69 = tpu.memref_slice %arg6[%mul3A_50, %dma_wait3A_68] : memref<40x128xi32, #tpu.memory_space<vmem>> -> memref<1x128xi32, #tpu.memory_space<vmem>>
      %dma_wait3A_70 = tpu.memref_squeeze %dma_wait3A_69 : memref<1x128xi32, #tpu.memory_space<vmem>> -> memref<128xi32, #tpu.memory_space<vmem>>
      %dma_wait3A_71 = arith.constant 0 : i32
      %dma_wait3A_72 = arith.constant 0 : i32
      %dma_wait3A_73 = tpu.memref_slice %arg2[%dma_wait3A_71, %dma_wait3A_72] : memref<10000x128xf32, #tpu.memory_space<hbm>> -> memref<10000x128xf32, #tpu.memory_space<hbm>>
      tpu.wait_indirect_dma semaphore(%arg10 : memref<!tpu.dma_semaphore, #tpu.memory_space<semaphore_mem>>) src(%dma_wait3A_73 : memref<10000x128xf32, #tpu.memory_space<hbm>>) dst(%dma_wait3A_67 : memref<128x128xf32, #tpu.memory_space<vmem>>)
      %run_scoped3A_74 = arith.constant 0 : i32
      "tpu.region"() ({
        %run_scoped3A_92 = tpu.sem_alloc : memref<!tpu.dma_semaphore, #tpu.memory_space<semaphore_mem>>
        %dma_start3A_93 = arith.constant 0 : i32
        %dma_start3A_94 = arith.constant 0 : i32
        %dma_start3A_95 = tpu.memref_slice %arg8[%run_scoped3A_74, %dma_start3A_93, %dma_start3A_94] : memref<2x128x128xf32, #tpu.memory_space<vmem>> -> memref<1x128x128xf32, #tpu.memory_space<vmem>>
        %dma_start3A_96 = tpu.memref_squeeze %dma_start3A_95 : memref<1x128x128xf32, #tpu.memory_space<vmem>> -> memref<128x128xf32, #tpu.memory_space<vmem>>
        %dma_start3A_97 = arith.constant 0 : i32
        %dma_start3A_98 = tpu.memref_slice %arg7[%mul3A_50, %dma_start3A_97] : memref<40x128xi32, #tpu.memory_space<vmem>> -> memref<1x128xi32, #tpu.memory_space<vmem>>
        %dma_start3A_99 = tpu.memref_squeeze %dma_start3A_98 : memref<1x128xi32, #tpu.memory_space<vmem>> -> memref<128xi32, #tpu.memory_space<vmem>>
        %dma_start3A_100 = arith.constant 0 : i32
        %dma_start3A_101 = arith.constant 0 : i32
        %dma_start3A_102 = tpu.memref_slice %arg9[%dma_start3A_100, %dma_start3A_101] : memref<10240x128xf32, #tpu.memory_space<vmem_shared>> -> memref<10240x128xf32, #tpu.memory_space<vmem_shared>>
        tpu.enqueue_indirect_dma source(%dma_start3A_96 : memref<128x128xf32, #tpu.memory_space<vmem>>) target(%dma_start3A_102 : memref<10240x128xf32, #tpu.memory_space<vmem_shared>>) offsets(%dma_start3A_99 : memref<128xi32, #tpu.memory_space<vmem>>) semaphore(%run_scoped3A_92 : memref<!tpu.dma_semaphore, #tpu.memory_space<semaphore_mem>>) {add = true}
        %dma_wait3A_103 = arith.constant 0 : i32
        %dma_wait3A_104 = arith.constant 0 : i32
        %dma_wait3A_105 = tpu.memref_slice %arg8[%run_scoped3A_74, %dma_wait3A_103, %dma_wait3A_104] : memref<2x128x128xf32, #tpu.memory_space<vmem>> -> memref<1x128x128xf32, #tpu.memory_space<vmem>>
        %dma_wait3A_106 = tpu.memref_squeeze %dma_wait3A_105 : memref<1x128x128xf32, #tpu.memory_space<vmem>> -> memref<128x128xf32, #tpu.memory_space<vmem>>
        %dma_wait3A_107 = arith.constant 0 : i32
        %dma_wait3A_108 = tpu.memref_slice %arg7[%mul3A_50, %dma_wait3A_107] : memref<40x128xi32, #tpu.memory_space<vmem>> -> memref<1x128xi32, #tpu.memory_space<vmem>>
        %dma_wait3A_109 = tpu.memref_squeeze %dma_wait3A_108 : memref<1x128xi32, #tpu.memory_space<vmem>> -> memref<128xi32, #tpu.memory_space<vmem>>
        %dma_wait3A_110 = arith.constant 0 : i32
        %dma_wait3A_111 = arith.constant 0 : i32
        %dma_wait3A_112 = tpu.memref_slice %arg9[%dma_wait3A_110, %dma_wait3A_111] : memref<10240x128xf32, #tpu.memory_space<vmem_shared>> -> memref<10240x128xf32, #tpu.memory_space<vmem_shared>>
        tpu.wait_indirect_dma semaphore(%run_scoped3A_92 : memref<!tpu.dma_semaphore, #tpu.memory_space<semaphore_mem>>) src(%dma_wait3A_106 : memref<128x128xf32, #tpu.memory_space<vmem>>) dst(%dma_wait3A_112 : memref<10240x128xf32, #tpu.memory_space<vmem_shared>>)
        tpu.yield
      }) : () -> ()
      %lt3A = arith.constant 19 : i32
      %lt3A_75 = arith.cmpi slt, %scan3A_47, %lt3A : i32
      %convert_element_type3A = arith.extui %lt3A_75 : i1 to i32
      %cond3A = arith.constant 0 : i32
      %cond3A_76 = arith.cmpi ne, %convert_element_type3A, %cond3A : i32
      scf.if %cond3A_76 {
        %add3A_92 = arith.constant 2 : i32
        %add3A_93 = arith.addi %mul3A_50, %add3A_92 : i32
        %dma_start3A_94 = arith.constant 0 : i32
        %dma_start3A_95 = arith.constant 0 : i32
        %dma_start3A_96 = arith.constant 0 : i32
        %dma_start3A_97 = tpu.memref_slice %arg8[%dma_start3A_94, %dma_start3A_95, %dma_start3A_96] : memref<2x128x128xf32, #tpu.memory_space<vmem>> -> memref<1x128x128xf32, #tpu.memory_space<vmem>>
        %dma_start3A_98 = tpu.memref_squeeze %dma_start3A_97 : memref<1x128x128xf32, #tpu.memory_space<vmem>> -> memref<128x128xf32, #tpu.memory_space<vmem>>
        %dma_start3A_99 = arith.constant 0 : i32
        %dma_start3A_100 = tpu.memref_slice %arg6[%add3A_93, %dma_start3A_99] : memref<40x128xi32, #tpu.memory_space<vmem>> -> memref<1x128xi32, #tpu.memory_space<vmem>>
        %dma_start3A_101 = tpu.memref_squeeze %dma_start3A_100 : memref<1x128xi32, #tpu.memory_space<vmem>> -> memref<128xi32, #tpu.memory_space<vmem>>
        %dma_start3A_102 = arith.constant 0 : i32
        %dma_start3A_103 = arith.constant 0 : i32
        %dma_start3A_104 = tpu.memref_slice %arg2[%dma_start3A_102, %dma_start3A_103] : memref<10000x128xf32, #tpu.memory_space<hbm>> -> memref<10000x128xf32, #tpu.memory_space<hbm>>
        tpu.enqueue_indirect_dma source(%dma_start3A_104 : memref<10000x128xf32, #tpu.memory_space<hbm>>) target(%dma_start3A_98 : memref<128x128xf32, #tpu.memory_space<vmem>>) offsets(%dma_start3A_101 : memref<128xi32, #tpu.memory_space<vmem>>) semaphore(%arg10 : memref<!tpu.dma_semaphore, #tpu.memory_space<semaphore_mem>>)
      } else {
      }
      %add3A_77 = arith.constant 1 : i32
      %add3A_78 = arith.addi %mul3A_50, %add3A_77 : i32
      %dma_wait3A_79 = arith.constant 1 : i32
      %dma_wait3A_80 = arith.constant 0 : i32
      %dma_wait3A_81 = arith.constant 0 : i32
      %dma_wait3A_82 = tpu.memref_slice %arg8[%dma_wait3A_79, %dma_wait3A_80, %dma_wait3A_81] : memref<2x128x128xf32, #tpu.memory_space<vmem>> -> memref<1x128x128xf32, #tpu.memory_space<vmem>>
      %dma_wait3A_83 = tpu.memref_squeeze %dma_wait3A_82 : memref<1x128x128xf32, #tpu.memory_space<vmem>> -> memref<128x128xf32, #tpu.memory_space<vmem>>
      %dma_wait3A_84 = arith.constant 0 : i32
      %dma_wait3A_85 = tpu.memref_slice %arg6[%add3A_78, %dma_wait3A_84] : memref<40x128xi32, #tpu.memory_space<vmem>> -> memref<1x128xi32, #tpu.memory_space<vmem>>
      %dma_wait3A_86 = tpu.memref_squeeze %dma_wait3A_85 : memref<1x128xi32, #tpu.memory_space<vmem>> -> memref<128xi32, #tpu.memory_space<vmem>>
      %dma_wait3A_87 = arith.constant 0 : i32
      %dma_wait3A_88 = arith.constant 0 : i32
      %dma_wait3A_89 = tpu.memref_slice %arg2[%dma_wait3A_87, %dma_wait3A_88] : memref<10000x128xf32, #tpu.memory_space<hbm>> -> memref<10000x128xf32, #tpu.memory_space<hbm>>
      tpu.wait_indirect_dma semaphore(%arg11 : memref<!tpu.dma_semaphore, #tpu.memory_space<semaphore_mem>>) src(%dma_wait3A_89 : memref<10000x128xf32, #tpu.memory_space<hbm>>) dst(%dma_wait3A_83 : memref<128x128xf32, #tpu.memory_space<vmem>>)
      %run_scoped3A_90 = arith.constant 1 : i32
      "tpu.region"() ({
        %run_scoped3A_92 = tpu.sem_alloc : memref<!tpu.dma_semaphore, #tpu.memory_space<semaphore_mem>>
        %dma_start3A_93 = arith.constant 0 : i32
        %dma_start3A_94 = arith.constant 0 : i32
        %dma_start3A_95 = tpu.memref_slice %arg8[%run_scoped3A_90, %dma_start3A_93, %dma_start3A_94] : memref<2x128x128xf32, #tpu.memory_space<vmem>> -> memref<1x128x128xf32, #tpu.memory_space<vmem>>
        %dma_start3A_96 = tpu.memref_squeeze %dma_start3A_95 : memref<1x128x128xf32, #tpu.memory_space<vmem>> -> memref<128x128xf32, #tpu.memory_space<vmem>>
        %dma_start3A_97 = arith.constant 0 : i32
        %dma_start3A_98 = tpu.memref_slice %arg7[%add3A_78, %dma_start3A_97] : memref<40x128xi32, #tpu.memory_space<vmem>> -> memref<1x128xi32, #tpu.memory_space<vmem>>
        %dma_start3A_99 = tpu.memref_squeeze %dma_start3A_98 : memref<1x128xi32, #tpu.memory_space<vmem>> -> memref<128xi32, #tpu.memory_space<vmem>>
        %dma_start3A_100 = arith.constant 0 : i32
        %dma_start3A_101 = arith.constant 0 : i32
        %dma_start3A_102 = tpu.memref_slice %arg9[%dma_start3A_100, %dma_start3A_101] : memref<10240x128xf32, #tpu.memory_space<vmem_shared>> -> memref<10240x128xf32, #tpu.memory_space<vmem_shared>>
        tpu.enqueue_indirect_dma source(%dma_start3A_96 : memref<128x128xf32, #tpu.memory_space<vmem>>) target(%dma_start3A_102 : memref<10240x128xf32, #tpu.memory_space<vmem_shared>>) offsets(%dma_start3A_99 : memref<128xi32, #tpu.memory_space<vmem>>) semaphore(%run_scoped3A_92 : memref<!tpu.dma_semaphore, #tpu.memory_space<semaphore_mem>>) {add = true}
        %dma_wait3A_103 = arith.constant 0 : i32
        %dma_wait3A_104 = arith.constant 0 : i32
        %dma_wait3A_105 = tpu.memref_slice %arg8[%run_scoped3A_90, %dma_wait3A_103, %dma_wait3A_104] : memref<2x128x128xf32, #tpu.memory_space<vmem>> -> memref<1x128x128xf32, #tpu.memory_space<vmem>>
        %dma_wait3A_106 = tpu.memref_squeeze %dma_wait3A_105 : memref<1x128x128xf32, #tpu.memory_space<vmem>> -> memref<128x128xf32, #tpu.memory_space<vmem>>
        %dma_wait3A_107 = arith.constant 0 : i32
        %dma_wait3A_108 = tpu.memref_slice %arg7[%add3A_78, %dma_wait3A_107] : memref<40x128xi32, #tpu.memory_space<vmem>> -> memref<1x128xi32, #tpu.memory_space<vmem>>
        %dma_wait3A_109 = tpu.memref_squeeze %dma_wait3A_108 : memref<1x128xi32, #tpu.memory_space<vmem>> -> memref<128xi32, #tpu.memory_space<vmem>>
        %dma_wait3A_110 = arith.constant 0 : i32
        %dma_wait3A_111 = arith.constant 0 : i32
        %dma_wait3A_112 = tpu.memref_slice %arg9[%dma_wait3A_110, %dma_wait3A_111] : memref<10240x128xf32, #tpu.memory_space<vmem_shared>> -> memref<10240x128xf32, #tpu.memory_space<vmem_shared>>
        tpu.wait_indirect_dma semaphore(%run_scoped3A_92 : memref<!tpu.dma_semaphore, #tpu.memory_space<semaphore_mem>>) src(%dma_wait3A_106 : memref<128x128xf32, #tpu.memory_space<vmem>>) dst(%dma_wait3A_112 : memref<10240x128xf32, #tpu.memory_space<vmem_shared>>)
        tpu.yield
      }) : () -> ()
      %scan3A_91 = arith.constant 0 : i32
      scf.yield %scan3A_91 : i32
    }
    %scan3A_20 = arith.constant 20 : i32
    %run_scoped3A_21 = arith.constant 0 : i32
    "tpu.region"() ({
      %run_scoped3A_47 = tpu.sem_alloc : memref<!tpu.dma_semaphore, #tpu.memory_space<semaphore_mem>>
      %dma_start3A_48 = arith.constant 40 : i32
      %dma_start3A_49 = arith.constant 0 : i32
      %dma_start3A_50 = tpu.memref_slice %arg3[%run_scoped3A_21, %add3A, %dma_start3A_48, %dma_start3A_49] : memref<2x32x80x128xi32, #tpu.memory_space<hbm>> -> memref<1x1x40x128xi32, #tpu.memory_space<hbm>>
      %dma_start3A_51 = tpu.memref_squeeze %dma_start3A_50 : memref<1x1x40x128xi32, #tpu.memory_space<hbm>> -> memref<40x128xi32, #tpu.memory_space<hbm>>
      %dma_start3A_52 = arith.constant 40 : i32
      %dma_start3A_53 = arith.constant 0 : i32
      %dma_start3A_54 = tpu.memref_slice %arg3[%run_scoped3A_21, %add3A, %dma_start3A_52, %dma_start3A_53] : memref<2x32x80x128xi32, #tpu.memory_space<hbm>> -> memref<1x1x40x128xi32, #tpu.memory_space<hbm>>
      %dma_start3A_55 = tpu.memref_squeeze %dma_start3A_54 : memref<1x1x40x128xi32, #tpu.memory_space<hbm>> -> memref<40x128xi32, #tpu.memory_space<hbm>>
      tpu.enqueue_dma source(%dma_start3A_55 : memref<40x128xi32, #tpu.memory_space<hbm>>) target(%arg6 : memref<40x128xi32, #tpu.memory_space<vmem>>) target_semaphore(%run_scoped3A_47 : memref<!tpu.dma_semaphore, #tpu.memory_space<semaphore_mem>>)
      %dma_wait3A = arith.constant 40 : i32
      %dma_wait3A_56 = arith.constant 0 : i32
      %dma_wait3A_57 = tpu.memref_slice %arg3[%run_scoped3A_21, %add3A, %dma_wait3A, %dma_wait3A_56] : memref<2x32x80x128xi32, #tpu.memory_space<hbm>> -> memref<1x1x40x128xi32, #tpu.memory_space<hbm>>
      %dma_wait3A_58 = tpu.memref_squeeze %dma_wait3A_57 : memref<1x1x40x128xi32, #tpu.memory_space<hbm>> -> memref<40x128xi32, #tpu.memory_space<hbm>>
      %dma_wait3A_59 = arith.constant 40 : i32
      %dma_wait3A_60 = arith.constant 0 : i32
      %dma_wait3A_61 = tpu.memref_slice %arg3[%run_scoped3A_21, %add3A, %dma_wait3A_59, %dma_wait3A_60] : memref<2x32x80x128xi32, #tpu.memory_space<hbm>> -> memref<1x1x40x128xi32, #tpu.memory_space<hbm>>
      %dma_wait3A_62 = tpu.memref_squeeze %dma_wait3A_61 : memref<1x1x40x128xi32, #tpu.memory_space<hbm>> -> memref<40x128xi32, #tpu.memory_space<hbm>>
      tpu.wait_dma2 semaphore(%run_scoped3A_47 : memref<!tpu.dma_semaphore, #tpu.memory_space<semaphore_mem>>) src(%dma_wait3A_62 : memref<40x128xi32, #tpu.memory_space<hbm>>) dst(%arg6 : memref<40x128xi32, #tpu.memory_space<vmem>>)
      tpu.yield
    }) : () -> ()
    %run_scoped3A_22 = arith.constant 1 : i32
    "tpu.region"() ({
      %run_scoped3A_47 = tpu.sem_alloc : memref<!tpu.dma_semaphore, #tpu.memory_space<semaphore_mem>>
      %dma_start3A_48 = arith.constant 40 : i32
      %dma_start3A_49 = arith.constant 0 : i32
      %dma_start3A_50 = tpu.memref_slice %arg3[%run_scoped3A_22, %add3A, %dma_start3A_48, %dma_start3A_49] : memref<2x32x80x128xi32, #tpu.memory_space<hbm>> -> memref<1x1x40x128xi32, #tpu.memory_space<hbm>>
      %dma_start3A_51 = tpu.memref_squeeze %dma_start3A_50 : memref<1x1x40x128xi32, #tpu.memory_space<hbm>> -> memref<40x128xi32, #tpu.memory_space<hbm>>
      %dma_start3A_52 = arith.constant 40 : i32
      %dma_start3A_53 = arith.constant 0 : i32
      %dma_start3A_54 = tpu.memref_slice %arg3[%run_scoped3A_22, %add3A, %dma_start3A_52, %dma_start3A_53] : memref<2x32x80x128xi32, #tpu.memory_space<hbm>> -> memref<1x1x40x128xi32, #tpu.memory_space<hbm>>
      %dma_start3A_55 = tpu.memref_squeeze %dma_start3A_54 : memref<1x1x40x128xi32, #tpu.memory_space<hbm>> -> memref<40x128xi32, #tpu.memory_space<hbm>>
      tpu.enqueue_dma source(%dma_start3A_55 : memref<40x128xi32, #tpu.memory_space<hbm>>) target(%arg7 : memref<40x128xi32, #tpu.memory_space<vmem>>) target_semaphore(%run_scoped3A_47 : memref<!tpu.dma_semaphore, #tpu.memory_space<semaphore_mem>>)
      %dma_wait3A = arith.constant 40 : i32
      %dma_wait3A_56 = arith.constant 0 : i32
      %dma_wait3A_57 = tpu.memref_slice %arg3[%run_scoped3A_22, %add3A, %dma_wait3A, %dma_wait3A_56] : memref<2x32x80x128xi32, #tpu.memory_space<hbm>> -> memref<1x1x40x128xi32, #tpu.memory_space<hbm>>
      %dma_wait3A_58 = tpu.memref_squeeze %dma_wait3A_57 : memref<1x1x40x128xi32, #tpu.memory_space<hbm>> -> memref<40x128xi32, #tpu.memory_space<hbm>>
      %dma_wait3A_59 = arith.constant 40 : i32
      %dma_wait3A_60 = arith.constant 0 : i32
      %dma_wait3A_61 = tpu.memref_slice %arg3[%run_scoped3A_22, %add3A, %dma_wait3A_59, %dma_wait3A_60] : memref<2x32x80x128xi32, #tpu.memory_space<hbm>> -> memref<1x1x40x128xi32, #tpu.memory_space<hbm>>
      %dma_wait3A_62 = tpu.memref_squeeze %dma_wait3A_61 : memref<1x1x40x128xi32, #tpu.memory_space<hbm>> -> memref<40x128xi32, #tpu.memory_space<hbm>>
      tpu.wait_dma2 semaphore(%run_scoped3A_47 : memref<!tpu.dma_semaphore, #tpu.memory_space<semaphore_mem>>) src(%dma_wait3A_62 : memref<40x128xi32, #tpu.memory_space<hbm>>) dst(%arg7 : memref<40x128xi32, #tpu.memory_space<vmem>>)
      tpu.yield
    }) : () -> ()
    %dma_start3A_23 = arith.constant 0 : i32
    %dma_start3A_24 = arith.constant 0 : i32
    %dma_start3A_25 = arith.constant 0 : i32
    %dma_start3A_26 = arith.constant 0 : i32
    %dma_start3A_27 = tpu.memref_slice %arg8[%dma_start3A_24, %dma_start3A_25, %dma_start3A_26] : memref<2x128x128xf32, #tpu.memory_space<vmem>> -> memref<1x128x128xf32, #tpu.memory_space<vmem>>
    %dma_start3A_28 = tpu.memref_squeeze %dma_start3A_27 : memref<1x128x128xf32, #tpu.memory_space<vmem>> -> memref<128x128xf32, #tpu.memory_space<vmem>>
    %dma_start3A_29 = arith.constant 0 : i32
    %dma_start3A_30 = tpu.memref_slice %arg6[%dma_start3A_23, %dma_start3A_29] : memref<40x128xi32, #tpu.memory_space<vmem>> -> memref<1x128xi32, #tpu.memory_space<vmem>>
    %dma_start3A_31 = tpu.memref_squeeze %dma_start3A_30 : memref<1x128xi32, #tpu.memory_space<vmem>> -> memref<128xi32, #tpu.memory_space<vmem>>
    %dma_start3A_32 = arith.constant 0 : i32
    %dma_start3A_33 = arith.constant 0 : i32
    %dma_start3A_34 = tpu.memref_slice %arg2[%dma_start3A_32, %dma_start3A_33] : memref<10000x128xf32, #tpu.memory_space<hbm>> -> memref<10000x128xf32, #tpu.memory_space<hbm>>
    tpu.enqueue_indirect_dma source(%dma_start3A_34 : memref<10000x128xf32, #tpu.memory_space<hbm>>) target(%dma_start3A_28 : memref<128x128xf32, #tpu.memory_space<vmem>>) offsets(%dma_start3A_31 : memref<128xi32, #tpu.memory_space<vmem>>) semaphore(%arg10 : memref<!tpu.dma_semaphore, #tpu.memory_space<semaphore_mem>>)
    %scan3A_35 = arith.constant 0 : i32
    %scan3A_36 = arith.constant 0 : i32
    %scan3A_37 = arith.constant 20 : i32
    %scan3A_38 = arith.addi %scan3A_36, %scan3A_37 : i32
    %scan3A_39 = arith.constant 1 : i32
    %scan3A_40 = scf.for %scan3A_47 = %scan3A_36 to %scan3A_38 step %scan3A_39 iter_args(%scan3A_48 = %scan3A_35) -> (i32)  : i32 {
      %mul3A_49 = arith.constant 2 : i32
      %mul3A_50 = arith.muli %mul3A_49, %scan3A_47 : i32
      %add3A_51 = arith.constant 1 : i32
      %add3A_52 = arith.addi %mul3A_50, %add3A_51 : i32
      %dma_start3A_53 = arith.constant 1 : i32
      %dma_start3A_54 = arith.constant 0 : i32
      %dma_start3A_55 = arith.constant 0 : i32
      %dma_start3A_56 = tpu.memref_slice %arg8[%dma_start3A_53, %dma_start3A_54, %dma_start3A_55] : memref<2x128x128xf32, #tpu.memory_space<vmem>> -> memref<1x128x128xf32, #tpu.memory_space<vmem>>
      %dma_start3A_57 = tpu.memref_squeeze %dma_start3A_56 : memref<1x128x128xf32, #tpu.memory_space<vmem>> -> memref<128x128xf32, #tpu.memory_space<vmem>>
      %dma_start3A_58 = arith.constant 0 : i32
      %dma_start3A_59 = tpu.memref_slice %arg6[%add3A_52, %dma_start3A_58] : memref<40x128xi32, #tpu.memory_space<vmem>> -> memref<1x128xi32, #tpu.memory_space<vmem>>
      %dma_start3A_60 = tpu.memref_squeeze %dma_start3A_59 : memref<1x128xi32, #tpu.memory_space<vmem>> -> memref<128xi32, #tpu.memory_space<vmem>>
      %dma_start3A_61 = arith.constant 0 : i32
      %dma_start3A_62 = arith.constant 0 : i32
      %dma_start3A_63 = tpu.memref_slice %arg2[%dma_start3A_61, %dma_start3A_62] : memref<10000x128xf32, #tpu.memory_space<hbm>> -> memref<10000x128xf32, #tpu.memory_space<hbm>>
      tpu.enqueue_indirect_dma source(%dma_start3A_63 : memref<10000x128xf32, #tpu.memory_space<hbm>>) target(%dma_start3A_57 : memref<128x128xf32, #tpu.memory_space<vmem>>) offsets(%dma_start3A_60 : memref<128xi32, #tpu.memory_space<vmem>>) semaphore(%arg11 : memref<!tpu.dma_semaphore, #tpu.memory_space<semaphore_mem>>)
      %dma_wait3A = arith.constant 0 : i32
      %dma_wait3A_64 = arith.constant 0 : i32
      %dma_wait3A_65 = arith.constant 0 : i32
      %dma_wait3A_66 = tpu.memref_slice %arg8[%dma_wait3A, %dma_wait3A_64, %dma_wait3A_65] : memref<2x128x128xf32, #tpu.memory_space<vmem>> -> memref<1x128x128xf32, #tpu.memory_space<vmem>>
      %dma_wait3A_67 = tpu.memref_squeeze %dma_wait3A_66 : memref<1x128x128xf32, #tpu.memory_space<vmem>> -> memref<128x128xf32, #tpu.memory_space<vmem>>
      %dma_wait3A_68 = arith.constant 0 : i32
      %dma_wait3A_69 = tpu.memref_slice %arg6[%mul3A_50, %dma_wait3A_68] : memref<40x128xi32, #tpu.memory_space<vmem>> -> memref<1x128xi32, #tpu.memory_space<vmem>>
      %dma_wait3A_70 = tpu.memref_squeeze %dma_wait3A_69 : memref<1x128xi32, #tpu.memory_space<vmem>> -> memref<128xi32, #tpu.memory_space<vmem>>
      %dma_wait3A_71 = arith.constant 0 : i32
      %dma_wait3A_72 = arith.constant 0 : i32
      %dma_wait3A_73 = tpu.memref_slice %arg2[%dma_wait3A_71, %dma_wait3A_72] : memref<10000x128xf32, #tpu.memory_space<hbm>> -> memref<10000x128xf32, #tpu.memory_space<hbm>>
      tpu.wait_indirect_dma semaphore(%arg10 : memref<!tpu.dma_semaphore, #tpu.memory_space<semaphore_mem>>) src(%dma_wait3A_73 : memref<10000x128xf32, #tpu.memory_space<hbm>>) dst(%dma_wait3A_67 : memref<128x128xf32, #tpu.memory_space<vmem>>)
      %run_scoped3A_74 = arith.constant 0 : i32
      "tpu.region"() ({
        %run_scoped3A_92 = tpu.sem_alloc : memref<!tpu.dma_semaphore, #tpu.memory_space<semaphore_mem>>
        %dma_start3A_93 = arith.constant 0 : i32
        %dma_start3A_94 = arith.constant 0 : i32
        %dma_start3A_95 = tpu.memref_slice %arg8[%run_scoped3A_74, %dma_start3A_93, %dma_start3A_94] : memref<2x128x128xf32, #tpu.memory_space<vmem>> -> memref<1x128x128xf32, #tpu.memory_space<vmem>>
        %dma_start3A_96 = tpu.memref_squeeze %dma_start3A_95 : memref<1x128x128xf32, #tpu.memory_space<vmem>> -> memref<128x128xf32, #tpu.memory_space<vmem>>
        %dma_start3A_97 = arith.constant 0 : i32
        %dma_start3A_98 = tpu.memref_slice %arg7[%mul3A_50, %dma_start3A_97] : memref<40x128xi32, #tpu.memory_space<vmem>> -> memref<1x128xi32, #tpu.memory_space<vmem>>
        %dma_start3A_99 = tpu.memref_squeeze %dma_start3A_98 : memref<1x128xi32, #tpu.memory_space<vmem>> -> memref<128xi32, #tpu.memory_space<vmem>>
        %dma_start3A_100 = arith.constant 0 : i32
        %dma_start3A_101 = arith.constant 0 : i32
        %dma_start3A_102 = tpu.memref_slice %arg9[%dma_start3A_100, %dma_start3A_101] : memref<10240x128xf32, #tpu.memory_space<vmem_shared>> -> memref<10240x128xf32, #tpu.memory_space<vmem_shared>>
        tpu.enqueue_indirect_dma source(%dma_start3A_96 : memref<128x128xf32, #tpu.memory_space<vmem>>) target(%dma_start3A_102 : memref<10240x128xf32, #tpu.memory_space<vmem_shared>>) offsets(%dma_start3A_99 : memref<128xi32, #tpu.memory_space<vmem>>) semaphore(%run_scoped3A_92 : memref<!tpu.dma_semaphore, #tpu.memory_space<semaphore_mem>>) {add = true}
        %dma_wait3A_103 = arith.constant 0 : i32
        %dma_wait3A_104 = arith.constant 0 : i32
        %dma_wait3A_105 = tpu.memref_slice %arg8[%run_scoped3A_74, %dma_wait3A_103, %dma_wait3A_104] : memref<2x128x128xf32, #tpu.memory_space<vmem>> -> memref<1x128x128xf32, #tpu.memory_space<vmem>>
        %dma_wait3A_106 = tpu.memref_squeeze %dma_wait3A_105 : memref<1x128x128xf32, #tpu.memory_space<vmem>> -> memref<128x128xf32, #tpu.memory_space<vmem>>
        %dma_wait3A_107 = arith.constant 0 : i32
        %dma_wait3A_108 = tpu.memref_slice %arg7[%mul3A_50, %dma_wait3A_107] : memref<40x128xi32, #tpu.memory_space<vmem>> -> memref<1x128xi32, #tpu.memory_space<vmem>>
        %dma_wait3A_109 = tpu.memref_squeeze %dma_wait3A_108 : memref<1x128xi32, #tpu.memory_space<vmem>> -> memref<128xi32, #tpu.memory_space<vmem>>
        %dma_wait3A_110 = arith.constant 0 : i32
        %dma_wait3A_111 = arith.constant 0 : i32
        %dma_wait3A_112 = tpu.memref_slice %arg9[%dma_wait3A_110, %dma_wait3A_111] : memref<10240x128xf32, #tpu.memory_space<vmem_shared>> -> memref<10240x128xf32, #tpu.memory_space<vmem_shared>>
        tpu.wait_indirect_dma semaphore(%run_scoped3A_92 : memref<!tpu.dma_semaphore, #tpu.memory_space<semaphore_mem>>) src(%dma_wait3A_106 : memref<128x128xf32, #tpu.memory_space<vmem>>) dst(%dma_wait3A_112 : memref<10240x128xf32, #tpu.memory_space<vmem_shared>>)
        tpu.yield
      }) : () -> ()
      %lt3A = arith.constant 19 : i32
      %lt3A_75 = arith.cmpi slt, %scan3A_47, %lt3A : i32
      %convert_element_type3A = arith.extui %lt3A_75 : i1 to i32
      %cond3A = arith.constant 0 : i32
      %cond3A_76 = arith.cmpi ne, %convert_element_type3A, %cond3A : i32
      scf.if %cond3A_76 {
        %add3A_92 = arith.constant 2 : i32
        %add3A_93 = arith.addi %mul3A_50, %add3A_92 : i32
        %dma_start3A_94 = arith.constant 0 : i32
        %dma_start3A_95 = arith.constant 0 : i32
        %dma_start3A_96 = arith.constant 0 : i32
        %dma_start3A_97 = tpu.memref_slice %arg8[%dma_start3A_94, %dma_start3A_95, %dma_start3A_96] : memref<2x128x128xf32, #tpu.memory_space<vmem>> -> memref<1x128x128xf32, #tpu.memory_space<vmem>>
        %dma_start3A_98 = tpu.memref_squeeze %dma_start3A_97 : memref<1x128x128xf32, #tpu.memory_space<vmem>> -> memref<128x128xf32, #tpu.memory_space<vmem>>
        %dma_start3A_99 = arith.constant 0 : i32
        %dma_start3A_100 = tpu.memref_slice %arg6[%add3A_93, %dma_start3A_99] : memref<40x128xi32, #tpu.memory_space<vmem>> -> memref<1x128xi32, #tpu.memory_space<vmem>>
        %dma_start3A_101 = tpu.memref_squeeze %dma_start3A_100 : memref<1x128xi32, #tpu.memory_space<vmem>> -> memref<128xi32, #tpu.memory_space<vmem>>
        %dma_start3A_102 = arith.constant 0 : i32
        %dma_start3A_103 = arith.constant 0 : i32
        %dma_start3A_104 = tpu.memref_slice %arg2[%dma_start3A_102, %dma_start3A_103] : memref<10000x128xf32, #tpu.memory_space<hbm>> -> memref<10000x128xf32, #tpu.memory_space<hbm>>
        tpu.enqueue_indirect_dma source(%dma_start3A_104 : memref<10000x128xf32, #tpu.memory_space<hbm>>) target(%dma_start3A_98 : memref<128x128xf32, #tpu.memory_space<vmem>>) offsets(%dma_start3A_101 : memref<128xi32, #tpu.memory_space<vmem>>) semaphore(%arg10 : memref<!tpu.dma_semaphore, #tpu.memory_space<semaphore_mem>>)
      } else {
      }
      %add3A_77 = arith.constant 1 : i32
      %add3A_78 = arith.addi %mul3A_50, %add3A_77 : i32
      %dma_wait3A_79 = arith.constant 1 : i32
      %dma_wait3A_80 = arith.constant 0 : i32
      %dma_wait3A_81 = arith.constant 0 : i32
      %dma_wait3A_82 = tpu.memref_slice %arg8[%dma_wait3A_79, %dma_wait3A_80, %dma_wait3A_81] : memref<2x128x128xf32, #tpu.memory_space<vmem>> -> memref<1x128x128xf32, #tpu.memory_space<vmem>>
      %dma_wait3A_83 = tpu.memref_squeeze %dma_wait3A_82 : memref<1x128x128xf32, #tpu.memory_space<vmem>> -> memref<128x128xf32, #tpu.memory_space<vmem>>
      %dma_wait3A_84 = arith.constant 0 : i32
      %dma_wait3A_85 = tpu.memref_slice %arg6[%add3A_78, %dma_wait3A_84] : memref<40x128xi32, #tpu.memory_space<vmem>> -> memref<1x128xi32, #tpu.memory_space<vmem>>
      %dma_wait3A_86 = tpu.memref_squeeze %dma_wait3A_85 : memref<1x128xi32, #tpu.memory_space<vmem>> -> memref<128xi32, #tpu.memory_space<vmem>>
      %dma_wait3A_87 = arith.constant 0 : i32
      %dma_wait3A_88 = arith.constant 0 : i32
      %dma_wait3A_89 = tpu.memref_slice %arg2[%dma_wait3A_87, %dma_wait3A_88] : memref<10000x128xf32, #tpu.memory_space<hbm>> -> memref<10000x128xf32, #tpu.memory_space<hbm>>
      tpu.wait_indirect_dma semaphore(%arg11 : memref<!tpu.dma_semaphore, #tpu.memory_space<semaphore_mem>>) src(%dma_wait3A_89 : memref<10000x128xf32, #tpu.memory_space<hbm>>) dst(%dma_wait3A_83 : memref<128x128xf32, #tpu.memory_space<vmem>>)
      %run_scoped3A_90 = arith.constant 1 : i32
      "tpu.region"() ({
        %run_scoped3A_92 = tpu.sem_alloc : memref<!tpu.dma_semaphore, #tpu.memory_space<semaphore_mem>>
        %dma_start3A_93 = arith.constant 0 : i32
        %dma_start3A_94 = arith.constant 0 : i32
        %dma_start3A_95 = tpu.memref_slice %arg8[%run_scoped3A_90, %dma_start3A_93, %dma_start3A_94] : memref<2x128x128xf32, #tpu.memory_space<vmem>> -> memref<1x128x128xf32, #tpu.memory_space<vmem>>
        %dma_start3A_96 = tpu.memref_squeeze %dma_start3A_95 : memref<1x128x128xf32, #tpu.memory_space<vmem>> -> memref<128x128xf32, #tpu.memory_space<vmem>>
        %dma_start3A_97 = arith.constant 0 : i32
        %dma_start3A_98 = tpu.memref_slice %arg7[%add3A_78, %dma_start3A_97] : memref<40x128xi32, #tpu.memory_space<vmem>> -> memref<1x128xi32, #tpu.memory_space<vmem>>
        %dma_start3A_99 = tpu.memref_squeeze %dma_start3A_98 : memref<1x128xi32, #tpu.memory_space<vmem>> -> memref<128xi32, #tpu.memory_space<vmem>>
        %dma_start3A_100 = arith.constant 0 : i32
        %dma_start3A_101 = arith.constant 0 : i32
        %dma_start3A_102 = tpu.memref_slice %arg9[%dma_start3A_100, %dma_start3A_101] : memref<10240x128xf32, #tpu.memory_space<vmem_shared>> -> memref<10240x128xf32, #tpu.memory_space<vmem_shared>>
        tpu.enqueue_indirect_dma source(%dma_start3A_96 : memref<128x128xf32, #tpu.memory_space<vmem>>) target(%dma_start3A_102 : memref<10240x128xf32, #tpu.memory_space<vmem_shared>>) offsets(%dma_start3A_99 : memref<128xi32, #tpu.memory_space<vmem>>) semaphore(%run_scoped3A_92 : memref<!tpu.dma_semaphore, #tpu.memory_space<semaphore_mem>>) {add = true}
        %dma_wait3A_103 = arith.constant 0 : i32
        %dma_wait3A_104 = arith.constant 0 : i32
        %dma_wait3A_105 = tpu.memref_slice %arg8[%run_scoped3A_90, %dma_wait3A_103, %dma_wait3A_104] : memref<2x128x128xf32, #tpu.memory_space<vmem>> -> memref<1x128x128xf32, #tpu.memory_space<vmem>>
        %dma_wait3A_106 = tpu.memref_squeeze %dma_wait3A_105 : memref<1x128x128xf32, #tpu.memory_space<vmem>> -> memref<128x128xf32, #tpu.memory_space<vmem>>
        %dma_wait3A_107 = arith.constant 0 : i32
        %dma_wait3A_108 = tpu.memref_slice %arg7[%add3A_78, %dma_wait3A_107] : memref<40x128xi32, #tpu.memory_space<vmem>> -> memref<1x128xi32, #tpu.memory_space<vmem>>
        %dma_wait3A_109 = tpu.memref_squeeze %dma_wait3A_108 : memref<1x128xi32, #tpu.memory_space<vmem>> -> memref<128xi32, #tpu.memory_space<vmem>>
        %dma_wait3A_110 = arith.constant 0 : i32
        %dma_wait3A_111 = arith.constant 0 : i32
        %dma_wait3A_112 = tpu.memref_slice %arg9[%dma_wait3A_110, %dma_wait3A_111] : memref<10240x128xf32, #tpu.memory_space<vmem_shared>> -> memref<10240x128xf32, #tpu.memory_space<vmem_shared>>
        tpu.wait_indirect_dma semaphore(%run_scoped3A_92 : memref<!tpu.dma_semaphore, #tpu.memory_space<semaphore_mem>>) src(%dma_wait3A_106 : memref<128x128xf32, #tpu.memory_space<vmem>>) dst(%dma_wait3A_112 : memref<10240x128xf32, #tpu.memory_space<vmem_shared>>)
        tpu.yield
      }) : () -> ()
      %scan3A_91 = arith.constant 0 : i32
      scf.yield %scan3A_91 : i32
    }
    %scan3A_41 = arith.constant 20 : i32
    %barrier3A_42 = arith.constant 0 : index
    tpu.barrier barrier_id(%barrier3A_42)
    %mul3A_43 = arith.constant 640 : i32
    %mul3A_44 = arith.muli %arg1, %mul3A_43 : i32
    %mul3A_45 = arith.constant 640 : i32
    %mul3A_46 = arith.muli %arg1, %mul3A_45 : i32
    "tpu.region"() ({
      %run_scoped3A_47 = tpu.sem_alloc : memref<!tpu.dma_semaphore, #tpu.memory_space<semaphore_mem>>
      %dma_start3A_48 = arith.constant 0 : i32
      %dma_start3A_49 = tpu.memref_slice %arg5[%arg0, %mul3A_46, %dma_start3A_48] : memref<2x10240x128xf32, #tpu.memory_space<hbm>> -> memref<1x640x128xf32, #tpu.memory_space<hbm>>
      %dma_start3A_50 = tpu.memref_squeeze %dma_start3A_49 : memref<1x640x128xf32, #tpu.memory_space<hbm>> -> memref<640x128xf32, #tpu.memory_space<hbm>>
      %dma_start3A_51 = arith.constant 0 : i32
      %dma_start3A_52 = tpu.memref_slice %arg9[%mul3A_44, %dma_start3A_51] : memref<10240x128xf32, #tpu.memory_space<vmem_shared>> -> memref<640x128xf32, #tpu.memory_space<vmem_shared>>
      tpu.enqueue_dma source(%dma_start3A_52 : memref<640x128xf32, #tpu.memory_space<vmem_shared>>) target(%dma_start3A_50 : memref<640x128xf32, #tpu.memory_space<hbm>>) target_semaphore(%run_scoped3A_47 : memref<!tpu.dma_semaphore, #tpu.memory_space<semaphore_mem>>)
      %dma_wait3A = arith.constant 0 : i32
      %dma_wait3A_53 = tpu.memref_slice %arg5[%arg0, %mul3A_46, %dma_wait3A] : memref<2x10240x128xf32, #tpu.memory_space<hbm>> -> memref<1x640x128xf32, #tpu.memory_space<hbm>>
      %dma_wait3A_54 = tpu.memref_squeeze %dma_wait3A_53 : memref<1x640x128xf32, #tpu.memory_space<hbm>> -> memref<640x128xf32, #tpu.memory_space<hbm>>
      %dma_wait3A_55 = arith.constant 0 : i32
      %dma_wait3A_56 = tpu.memref_slice %arg9[%mul3A_44, %dma_wait3A_55] : memref<10240x128xf32, #tpu.memory_space<vmem_shared>> -> memref<640x128xf32, #tpu.memory_space<vmem_shared>>
      tpu.wait_dma2 semaphore(%run_scoped3A_47 : memref<!tpu.dma_semaphore, #tpu.memory_space<semaphore_mem>>) src(%dma_wait3A_56 : memref<640x128xf32, #tpu.memory_space<vmem_shared>>) dst(%dma_wait3A_54 : memref<640x128xf32, #tpu.memory_space<hbm>>)
      tpu.yield
    }) : () -> ()
    return
  }
}

module attributes {stable_mosaic.version = 14 : i64} {
  func.func @_dense_body(%arg0: i32, %arg1: memref<1000x128xf32, #tpu.memory_space<vmem>>, %arg2: memref<2x1000x128xf32, #tpu.memory_space<vmem>>, %arg3: memref<2x1000x1xf32, #tpu.memory_space<vmem>>, %arg4: memref<128x128xf32, #tpu.memory_space<vmem>>, %arg5: memref<128x128xf32, #tpu.memory_space<vmem>>, %arg6: memref<1x128xf32, #tpu.memory_space<vmem>>, %arg7: memref<1000x128xf32, #tpu.memory_space<vmem>>, %arg8: memref<1000x1xf32, #tpu.memory_space<vmem>>) attributes {dimension_semantics = [#tpu.dimension_semantics<arbitrary>], iteration_bounds = array<i64: 10>, scalar_prefetch = 0 : i64, scratch_operands = 0 : i64, tpu.core_type = #tpu.core_type<tc>, window_params = [{transform_indices = @transform_0, window_bounds = array<i64: 1000, 128>}, {transform_indices = @transform_1, window_bounds = array<i64: 2, 1000, 128>}, {transform_indices = @transform_2, window_bounds = array<i64: 2, 1000, 1>}, {pipeline_mode = #tpu.pipeline_mode<synchronous>, transform_indices = @transform_3, window_bounds = array<i64: 128, 128>}, {pipeline_mode = #tpu.pipeline_mode<synchronous>, transform_indices = @transform_4, window_bounds = array<i64: 128, 128>}, {pipeline_mode = #tpu.pipeline_mode<synchronous>, transform_indices = @transform_5, window_bounds = array<i64: 1, 128>}, {transform_indices = @transform_6, window_bounds = array<i64: 1000, 128>}, {transform_indices = @transform_7, window_bounds = array<i64: 1000, 1>}]} {
    %get3A = arith.constant 0 : index
    %get3A_0 = arith.constant 0 : index
    %get3A_1 = arith.constant 0 : index
    %get3A_2 = vector.load %arg3[%get3A, %get3A_0, %get3A_1] : memref<2x1000x1xf32, #tpu.memory_space<vmem>>, vector<1x1000x1xf32>
    %get3A_3 = vector.shape_cast %get3A_2 : vector<1x1000x1xf32> to vector<1000x1xf32>
    %get3A_4 = arith.constant 1 : index
    %get3A_5 = arith.constant 0 : index
    %get3A_6 = arith.constant 0 : index
    %get3A_7 = vector.load %arg3[%get3A_4, %get3A_5, %get3A_6] : memref<2x1000x1xf32, #tpu.memory_space<vmem>>, vector<1x1000x1xf32>
    %get3A_8 = vector.shape_cast %get3A_7 : vector<1x1000x1xf32> to vector<1000x1xf32>
    %add3A = arith.addf %get3A_3, %get3A_8 : vector<1000x1xf32>
    %max3A = arith.constant 1.000000e+00 : f32
    %max3A_9 = vector.broadcast %max3A : f32 to vector<1000x1xf32>
    %max3A_10 = arith.maximumf %add3A, %max3A_9 : vector<1000x1xf32>
    %div3A = arith.constant 1.000000e+00 : f32
    %div3A_11 = vector.broadcast %div3A : f32 to vector<1000x1xf32>
    %div3A_12 = arith.divf %div3A_11, %max3A_10 : vector<1000x1xf32>
    %get3A_13 = arith.constant 0 : index
    %get3A_14 = arith.constant 0 : index
    %get3A_15 = arith.constant 0 : index
    %get3A_16 = vector.load %arg2[%get3A_13, %get3A_14, %get3A_15] : memref<2x1000x128xf32, #tpu.memory_space<vmem>>, vector<1x1000x128xf32>
    %get3A_17 = vector.shape_cast %get3A_16 : vector<1x1000x128xf32> to vector<1000x128xf32>
    %get3A_18 = arith.constant 1 : index
    %get3A_19 = arith.constant 0 : index
    %get3A_20 = arith.constant 0 : index
    %get3A_21 = vector.load %arg2[%get3A_18, %get3A_19, %get3A_20] : memref<2x1000x128xf32, #tpu.memory_space<vmem>>, vector<1x1000x128xf32>
    %get3A_22 = vector.shape_cast %get3A_21 : vector<1x1000x128xf32> to vector<1000x128xf32>
    %add3A_23 = arith.addf %get3A_17, %get3A_22 : vector<1000x128xf32>
    %mul3A = vector.broadcast %div3A_12 : vector<1000x1xf32> to vector<1000x128xf32>
    %mul3A_24 = arith.mulf %add3A_23, %mul3A : vector<1000x128xf32>
    %get3A_25 = arith.constant 0 : index
    %get3A_26 = arith.constant 0 : index
    %get3A_27 = vector.load %arg1[%get3A_25, %get3A_26] : memref<1000x128xf32, #tpu.memory_space<vmem>>, vector<1000x128xf32>
    %get3A_28 = arith.constant 0 : index
    %get3A_29 = arith.constant 0 : index
    %get3A_30 = vector.load %arg4[%get3A_28, %get3A_29] : memref<128x128xf32, #tpu.memory_space<vmem>>, vector<128x128xf32>
    %dot_general3A = arith.constant dense<0.000000e+00> : vector<1000x128xf32>
    %dot_general3A_31 = tpu.matmul %get3A_27, %get3A_30, %dot_general3A {dimension_numbers = #tpu.dot_dimension_numbers<[1], [0], [0], [1], [0, 0, 1, 1], [], []>, transpose_lhs_hint = false} : vector<1000x128xf32>, vector<128x128xf32>, vector<1000x128xf32> -> vector<1000x128xf32>
    %get3A_32 = arith.constant 0 : index
    %get3A_33 = arith.constant 0 : index
    %get3A_34 = vector.load %arg5[%get3A_32, %get3A_33] : memref<128x128xf32, #tpu.memory_space<vmem>>, vector<128x128xf32>
    %dot_general3A_35 = arith.constant dense<0.000000e+00> : vector<1000x128xf32>
    %dot_general3A_36 = tpu.matmul %mul3A_24, %get3A_34, %dot_general3A_35 {dimension_numbers = #tpu.dot_dimension_numbers<[1], [0], [0], [1], [0, 0, 1, 1], [], []>, transpose_lhs_hint = false} : vector<1000x128xf32>, vector<128x128xf32>, vector<1000x128xf32> -> vector<1000x128xf32>
    %add3A_37 = arith.addf %dot_general3A_31, %dot_general3A_36 : vector<1000x128xf32>
    %get3A_38 = arith.constant 0 : index
    %get3A_39 = arith.constant 0 : index
    %get3A_40 = vector.load %arg6[%get3A_38, %get3A_39] : memref<1x128xf32, #tpu.memory_space<vmem>>, vector<1x128xf32>
    %add3A_41 = vector.broadcast %get3A_40 : vector<1x128xf32> to vector<1000x128xf32>
    %add3A_42 = arith.addf %add3A_37, %add3A_41 : vector<1000x128xf32>
    %max3A_43 = arith.constant 0.000000e+00 : f32
    %max3A_44 = vector.broadcast %max3A_43 : f32 to vector<1000x128xf32>
    %max3A_45 = arith.maximumf %add3A_42, %max3A_44 : vector<1000x128xf32>
    %swap3A = arith.constant 0 : index
    %swap3A_46 = arith.constant 0 : index
    %swap3A_47 = vector.load %arg7[%swap3A, %swap3A_46] : memref<1000x128xf32, #tpu.memory_space<vmem>>, vector<1000x128xf32>
    tpu.vector_store %arg7[%swap3A, %swap3A_46], %max3A_45 {strides = array<i32>} : memref<1000x128xf32, #tpu.memory_space<vmem>>, vector<1000x128xf32>,
    %swap3A_48 = arith.constant 0 : index
    %swap3A_49 = arith.constant 0 : index
    %swap3A_50 = vector.load %arg8[%swap3A_48, %swap3A_49] : memref<1000x1xf32, #tpu.memory_space<vmem>>, vector<1000x1xf32>
    tpu.vector_store %arg8[%swap3A_48, %swap3A_49], %div3A_12 {strides = array<i32>} : memref<1000x1xf32, #tpu.memory_space<vmem>>, vector<1000x1xf32>,
    return
  }
  func.func @transform_0(%arg0: i32) -> (i32, i32) {
    %c0_i32 = arith.constant 0 : i32
    %c0_i32_0 = arith.constant 0 : i32
    return %arg0, %c0_i32 : i32, i32
  }
  func.func @transform_1(%arg0: i32) -> (i32, i32, i32) {
    %c0_i32 = arith.constant 0 : i32
    %c0_i32_0 = arith.constant 0 : i32
    %c0_i32_1 = arith.constant 0 : i32
    return %c0_i32, %arg0, %c0_i32_0 : i32, i32, i32
  }
  func.func @transform_2(%arg0: i32) -> (i32, i32, i32) {
    %c0_i32 = arith.constant 0 : i32
    %c0_i32_0 = arith.constant 0 : i32
    %c0_i32_1 = arith.constant 0 : i32
    return %c0_i32, %arg0, %c0_i32_0 : i32, i32, i32
  }
  func.func @transform_3(%arg0: i32) -> (i32, i32) {
    %c0_i32 = arith.constant 0 : i32
    %c0_i32_0 = arith.constant 0 : i32
    %c0_i32_1 = arith.constant 0 : i32
    return %c0_i32, %c0_i32_0 : i32, i32
  }
  func.func @transform_4(%arg0: i32) -> (i32, i32) {
    %c0_i32 = arith.constant 0 : i32
    %c0_i32_0 = arith.constant 0 : i32
    %c0_i32_1 = arith.constant 0 : i32
    return %c0_i32, %c0_i32_0 : i32, i32
  }
  func.func @transform_5(%arg0: i32) -> (i32, i32) {
    %c0_i32 = arith.constant 0 : i32
    %c0_i32_0 = arith.constant 0 : i32
    %c0_i32_1 = arith.constant 0 : i32
    return %c0_i32, %c0_i32_0 : i32, i32
  }
  func.func @transform_6(%arg0: i32) -> (i32, i32) {
    %c0_i32 = arith.constant 0 : i32
    %c0_i32_0 = arith.constant 0 : i32
    return %arg0, %c0_i32 : i32, i32
  }
  func.func @transform_7(%arg0: i32) -> (i32, i32) {
    %c0_i32 = arith.constant 0 : i32
    %c0_i32_0 = arith.constant 0 : i32
    return %arg0, %c0_i32 : i32, i32
  }
}

module attributes {stable_mosaic.version = 14 : i64} {
  func.func @_dense_body(%arg0: i32, %arg1: memref<1000x128xf32, #tpu.memory_space<vmem>>, %arg2: memref<2x1000x128xf32, #tpu.memory_space<vmem>>, %arg3: memref<1000x1xf32, #tpu.memory_space<vmem>>, %arg4: memref<128x128xf32, #tpu.memory_space<vmem>>, %arg5: memref<128x128xf32, #tpu.memory_space<vmem>>, %arg6: memref<1x128xf32, #tpu.memory_space<vmem>>, %arg7: memref<1000x128xf32, #tpu.memory_space<vmem>>) attributes {dimension_semantics = [#tpu.dimension_semantics<arbitrary>], iteration_bounds = array<i64: 10>, scalar_prefetch = 0 : i64, scratch_operands = 0 : i64, tpu.core_type = #tpu.core_type<tc>, window_params = [{transform_indices = @transform_0, window_bounds = array<i64: 1000, 128>}, {transform_indices = @transform_1, window_bounds = array<i64: 2, 1000, 128>}, {transform_indices = @transform_2, window_bounds = array<i64: 1000, 1>}, {pipeline_mode = #tpu.pipeline_mode<synchronous>, transform_indices = @transform_3, window_bounds = array<i64: 128, 128>}, {pipeline_mode = #tpu.pipeline_mode<synchronous>, transform_indices = @transform_4, window_bounds = array<i64: 128, 128>}, {pipeline_mode = #tpu.pipeline_mode<synchronous>, transform_indices = @transform_5, window_bounds = array<i64: 1, 128>}, {transform_indices = @transform_6, window_bounds = array<i64: 1000, 128>}]} {
    %get3A = arith.constant 0 : index
    %get3A_0 = arith.constant 0 : index
    %get3A_1 = vector.load %arg3[%get3A, %get3A_0] : memref<1000x1xf32, #tpu.memory_space<vmem>>, vector<1000x1xf32>
    %get3A_2 = arith.constant 0 : index
    %get3A_3 = arith.constant 0 : index
    %get3A_4 = arith.constant 0 : index
    %get3A_5 = vector.load %arg2[%get3A_2, %get3A_3, %get3A_4] : memref<2x1000x128xf32, #tpu.memory_space<vmem>>, vector<1x1000x128xf32>
    %get3A_6 = vector.shape_cast %get3A_5 : vector<1x1000x128xf32> to vector<1000x128xf32>
    %get3A_7 = arith.constant 1 : index
    %get3A_8 = arith.constant 0 : index
    %get3A_9 = arith.constant 0 : index
    %get3A_10 = vector.load %arg2[%get3A_7, %get3A_8, %get3A_9] : memref<2x1000x128xf32, #tpu.memory_space<vmem>>, vector<1x1000x128xf32>
    %get3A_11 = vector.shape_cast %get3A_10 : vector<1x1000x128xf32> to vector<1000x128xf32>
    %add3A = arith.addf %get3A_6, %get3A_11 : vector<1000x128xf32>
    %mul3A = vector.broadcast %get3A_1 : vector<1000x1xf32> to vector<1000x128xf32>
    %mul3A_12 = arith.mulf %add3A, %mul3A : vector<1000x128xf32>
    %get3A_13 = arith.constant 0 : index
    %get3A_14 = arith.constant 0 : index
    %get3A_15 = vector.load %arg1[%get3A_13, %get3A_14] : memref<1000x128xf32, #tpu.memory_space<vmem>>, vector<1000x128xf32>
    %get3A_16 = arith.constant 0 : index
    %get3A_17 = arith.constant 0 : index
    %get3A_18 = vector.load %arg4[%get3A_16, %get3A_17] : memref<128x128xf32, #tpu.memory_space<vmem>>, vector<128x128xf32>
    %dot_general3A = arith.constant dense<0.000000e+00> : vector<1000x128xf32>
    %dot_general3A_19 = tpu.matmul %get3A_15, %get3A_18, %dot_general3A {dimension_numbers = #tpu.dot_dimension_numbers<[1], [0], [0], [1], [0, 0, 1, 1], [], []>, transpose_lhs_hint = false} : vector<1000x128xf32>, vector<128x128xf32>, vector<1000x128xf32> -> vector<1000x128xf32>
    %get3A_20 = arith.constant 0 : index
    %get3A_21 = arith.constant 0 : index
    %get3A_22 = vector.load %arg5[%get3A_20, %get3A_21] : memref<128x128xf32, #tpu.memory_space<vmem>>, vector<128x128xf32>
    %dot_general3A_23 = arith.constant dense<0.000000e+00> : vector<1000x128xf32>
    %dot_general3A_24 = tpu.matmul %mul3A_12, %get3A_22, %dot_general3A_23 {dimension_numbers = #tpu.dot_dimension_numbers<[1], [0], [0], [1], [0, 0, 1, 1], [], []>, transpose_lhs_hint = false} : vector<1000x128xf32>, vector<128x128xf32>, vector<1000x128xf32> -> vector<1000x128xf32>
    %add3A_25 = arith.addf %dot_general3A_19, %dot_general3A_24 : vector<1000x128xf32>
    %get3A_26 = arith.constant 0 : index
    %get3A_27 = arith.constant 0 : index
    %get3A_28 = vector.load %arg6[%get3A_26, %get3A_27] : memref<1x128xf32, #tpu.memory_space<vmem>>, vector<1x128xf32>
    %add3A_29 = vector.broadcast %get3A_28 : vector<1x128xf32> to vector<1000x128xf32>
    %add3A_30 = arith.addf %add3A_25, %add3A_29 : vector<1000x128xf32>
    %swap3A = arith.constant 0 : index
    %swap3A_31 = arith.constant 0 : index
    %swap3A_32 = vector.load %arg7[%swap3A, %swap3A_31] : memref<1000x128xf32, #tpu.memory_space<vmem>>, vector<1000x128xf32>
    tpu.vector_store %arg7[%swap3A, %swap3A_31], %add3A_30 {strides = array<i32>} : memref<1000x128xf32, #tpu.memory_space<vmem>>, vector<1000x128xf32>,
    return
  }
  func.func @transform_0(%arg0: i32) -> (i32, i32) {
    %c0_i32 = arith.constant 0 : i32
    %c0_i32_0 = arith.constant 0 : i32
    return %arg0, %c0_i32 : i32, i32
  }
  func.func @transform_1(%arg0: i32) -> (i32, i32, i32) {
    %c0_i32 = arith.constant 0 : i32
    %c0_i32_0 = arith.constant 0 : i32
    %c0_i32_1 = arith.constant 0 : i32
    return %c0_i32, %arg0, %c0_i32_0 : i32, i32, i32
  }
  func.func @transform_2(%arg0: i32) -> (i32, i32) {
    %c0_i32 = arith.constant 0 : i32
    %c0_i32_0 = arith.constant 0 : i32
    return %arg0, %c0_i32 : i32, i32
  }
  func.func @transform_3(%arg0: i32) -> (i32, i32) {
    %c0_i32 = arith.constant 0 : i32
    %c0_i32_0 = arith.constant 0 : i32
    %c0_i32_1 = arith.constant 0 : i32
    return %c0_i32, %c0_i32_0 : i32, i32
  }
  func.func @transform_4(%arg0: i32) -> (i32, i32) {
    %c0_i32 = arith.constant 0 : i32
    %c0_i32_0 = arith.constant 0 : i32
    %c0_i32_1 = arith.constant 0 : i32
    return %c0_i32, %c0_i32_0 : i32, i32
  }
  func.func @transform_5(%arg0: i32) -> (i32, i32) {
    %c0_i32 = arith.constant 0 : i32
    %c0_i32_0 = arith.constant 0 : i32
    %c0_i32_1 = arith.constant 0 : i32
    return %c0_i32, %c0_i32_0 : i32, i32
  }
  func.func @transform_6(%arg0: i32) -> (i32, i32) {
    %c0_i32 = arith.constant 0 : i32
    %c0_i32_0 = arith.constant 0 : i32
    return %arg0, %c0_i32 : i32, i32
  }
}

</mosaic_0001>

<sc_bundles>
// kernel: kernel.6.cloned.1.call-start
scs
__scs_entry_jumppad:
0x0: {  	(pc) =	sbr.rel $0x88, $3  }
0x1: {  	(tag) =	ssettag $0x0;
	lr =	simm.s32 $0x1  }
0x2: {  	[smem:$0x3F99] =	sst lr;
	_ =	strace $0xD0000000  }
0x3: {  	_ = 	snop  }
0x4: {  	_ = 	snop  }
0x5: {  	_ = 	snop  }
0x6: {  	_ = 	snop  }
0x7: {  	_ = 	snop  }
__scs_overlays_trampoline_lowered:
0x8: {  	[smem:$0x3FA8] =	sst s0  }
0x9: {  	[smem:$0x3FA9] =	sst s1  }
0xa: {  	[smem:$0x3FAA] =	sst s2  }
0xb: {  	[smem:$0x3FAB] =	sst s3  }
0xc: {  	[smem:$0x3FAC] =	sst s4  }
0xd: {  	[smem:$0x3FAD] =	sst s5  }
0xe: {  	[smem:$0x3FAE] =	sst s6  }
0xf: {  	[smem:$0x3FAF] =	sst s7  }
0x10: {  	[smem:$0x3FB0] =	sst s8  }
0x11: {  	[smem:$0x3FB1] =	sst s9;
	s0 =	simm.s32 @!p0 $0x0  }
0x12: {  	s1 =	sld [smem:$0x3F97];
	s0 =	simm.s32 @p0 $0x1  }
0x13: {  	[smem:$0x3FB2] =	sst s0;
	s0 =	simm.s32 @!p1 $0x0  }
0x14: {  	s2 =	sld [smem:$0x3F96];
	s0 =	simm.s32 @p1 $0x1  }
0x15: {  	[smem:$0x3FB3] =	sst s0;
	s0 =	simm.s32 @!p2 $0x0  }
0x16: {  	s3 =	sld [smem:$0x3FDB];
	s0 =	simm.s32 @p2 $0x1  }
0x17: {  	s4 =	simm.s32 $0x1BF5;
	[smem:$0x3FB5] =	sst s0  }
0x18: {  	s0 =	sld [smem:$0x3F98];
	_ =	swait.ge [sflag:s4], $0x0  }
0x19: {  	s7 =	sld [smem:$0x3F99]  }
0x1a: {  	s8 =	sadd.s32 $0xFFFFE003, lr  }
0x1b: {  	s9 =	sadd.s32 $0xFFFFFEF7, lr;
	s5 =	simm.s32 $0xFFFFFFFF;
	p2 =	slt.u32 s8, $0xFFFFF086  }
0x1c: {  	p1 =	slt.u32 s9, $0xF7A;
	s5 =	simm.s32 @!p2 $0x0  }
0x1d: {  	s5 =	simm.s32 @p1 $0x1;
	p0 =	seq.s32 s7, s2  }
0x1e: {  	s7 =	smul.u32 @!p0 $0xF7A, s2;
	p2 =	seq.s32 @!p0 s5, $0x0  }
0x1f: {  	s9 =	smul.u32 $0xF7A, s1;
	s8 =	simm.s32 @!p0 $0x1BF5;
	p2 =	por !p2, p0  }
0x20: {  	[sflag:s8] =	ssyncset.s32 @!p0 $0xFFFFF086;
	s6 =	sadd.s32 @!p0 s3, s7;
	s7 =	simm.s32 @!p0 $0x108  }
0x21: {  	s3 =	sadd.s32 s3, s9;
	s6 =	sadd.s32 @!p0 $0x88, s6;
	s7 =	simm.s32 @p2 $0x1082  }
0x22: {  	[simem:s7], [sflag:s8] =	dma.local @!p0 [hbm:s6], $0xF7A  }
0x23: {  	s9 =	sor.u32 $0xD0000000, s2;
	s6 =	simm.s32 $0x108;
	_ =	swait.ge @!p0 [sflag:s8], $0x0  }
0x24: {  	s3 =	sadd.s32 $0x88, s3;
	s6 =	simm.s32 @!p1 $0x1082;
	[sflag:s4] =	ssyncset.s32 $0xFFFFF086  }
0x25: {  	[simem:s6], [sflag:s4] =	dma.local [hbm:s3], $0xF7A  }
0x26: {  	[smem:$0x3F99] =	sst s1;
	(tag) =	ssettag s2;
	_ =	strace s9  }
0x27: {  	s1 =	sld [smem:$0x3FA9]  }
0x28: {  	s2 =	sld [smem:$0x3FAA]  }
0x29: {  	s4 =	sld [smem:$0x3FAC]  }
0x2a: {  	p0 =	seq.s32 s5, $0x0;
	s5 =	sld [smem:$0x3FAD]  }
0x2b: {  	s6 =	sld [smem:$0x3FAE]  }
0x2c: {  	s7 =	sld [smem:$0x3FAF]  }
0x2d: {  	s3 =	simm.s32 $0x108;
	s8 =	sld [smem:$0x3FB0]  }
0x2e: {  	s3 =	simm.s32 @!p0 $0x1082;
	s9 =	sld [smem:$0x3FB1]  }
0x2f: {  	lr =	sadd.s32 s0, s3;
	s0 =	sld [smem:$0x3FA8]  }
0x30: {  	s3 =	sld [smem:$0x3FAB]  }
0x31: {  	[smem:$0x3FB4] =	sst s10  }
0x32: {  	s10 =	sld [smem:$0x3FB2];
	_ =	sdelay $0x3  }
0x33: {  	p0 =	seq.s32 s10, $0x1;
	s10 =	sld [smem:$0x3FB4];
	_ =	sdelay $0x3  }
0x34: {  	[smem:$0x3FB4] =	sst s10  }
0x35: {  	s10 =	sld [smem:$0x3FB3];
	_ =	sdelay $0x3  }
0x36: {  	p1 =	seq.s32 s10, $0x1;
	s10 =	sld [smem:$0x3FB4];
	_ =	sdelay $0x3  }
0x37: {  	[smem:$0x3FB4] =	sst s10  }
0x38: {  	s10 =	sld [smem:$0x3FB5]  }
0x39: {  	_ = 	snop;
	(pc) =	sbr.ind lr, $3  }
0x3a: {  	_ = 	snop  }
0x3b: {  	_ = 	snop  }
0x3c: {  	p2 =	seq.s32 s10, $0x1;
	s10 =	sld [smem:$0x3FB4]  }
0x3d: {  	_ =	shalt  }
0x3e: {  	_ =	shalt  }
0x3f: {  	_ =	shalt  }
0x40: {  	_ =	shalt  }
0x41: {  	_ =	shalt  }
0x42: {  	_ =	shalt  }
0x43: {  	_ =	shalt  }
0x44: {  	_ =	shalt  }
0x45: {  	_ =	shalt  }
0x46: {  	_ =	shalt  }
0x47: {  	_ =	shalt  }
0x48: {  	_ =	shalt  }
0x49: {  	_ =	shalt  }
0x4a: {  	_ =	shalt  }
0x4b: {  	_ =	shalt  }
0x4c: {  	_ =	shalt  }
0x4d: {  	_ =	shalt  }
0x4e: {  	_ =	shalt  }
0x4f: {  	_ =	shalt  }
0x50: {  	_ =	shalt  }
0x51: {  	_ =	shalt  }
0x52: {  	_ =	shalt  }
0x53: {  	_ =	shalt  }
0x54: {  	_ =	shalt  }
0x55: {  	_ =	shalt  }
0x56: {  	_ =	shalt  }
0x57: {  	_ =	shalt  }
0x58: {  	_ =	shalt  }
0x59: {  	_ =	shalt  }
0x5a: {  	_ =	shalt  }
0x5b: {  	_ =	shalt  }
0x5c: {  	_ =	shalt  }
0x5d: {  	_ =	shalt  }
0x5e: {  	_ =	shalt  }
0x5f: {  	_ =	shalt  }
0x60: {  	_ =	shalt  }
0x61: {  	_ =	shalt  }
0x62: {  	_ =	shalt  }
0x63: {  	_ =	shalt  }
0x64: {  	_ =	shalt  }
0x65: {  	_ =	shalt  }
0x66: {  	_ =	shalt  }
0x67: {  	_ =	shalt  }
0x68: {  	_ =	shalt  }
0x69: {  	_ =	shalt  }
0x6a: {  	_ =	shalt  }
0x6b: {  	_ =	shalt  }
0x6c: {  	_ =	shalt  }
0x6d: {  	_ =	shalt  }
0x6e: {  	_ =	shalt  }
0x6f: {  	_ =	shalt  }
0x70: {  	_ =	shalt  }
0x71: {  	_ =	shalt  }
0x72: {  	_ =	shalt  }
0x73: {  	_ =	shalt  }
0x74: {  	_ =	shalt  }
0x75: {  	_ =	shalt  }
0x76: {  	_ =	shalt  }
0x77: {  	_ =	shalt  }
0x78: {  	_ =	shalt  }
0x79: {  	_ =	shalt  }
0x7a: {  	_ =	shalt  }
0x7b: {  	_ =	shalt  }
0x7c: {  	_ =	shalt  }
0x7d: {  	_ =	shalt  }
0x7e: {  	_ =	shalt  }
0x7f: {  	_ =	shalt  }
0x80: {  	_ =	shalt  }
0x81: {  	_ =	shalt  }
0x82: {  	_ =	shalt  }
0x83: {  	_ =	shalt  }
0x84: {  	_ =	shalt  }
0x85: {  	_ =	shalt  }
0x86: {  	_ =	shalt  }
0x87: {  	_ =	shalt  }
.Lfunc_end0:
.L_simem_size_0:
called_computation_lowered:
.L_overlay_start_0:
0x88: {  	s2 =	sld [smem:$0x3FD9]  }
0x89: {  	s3 =	sld [smem:$0x3FFE];
	_ =	sdelay $0x1  }
0x8a: {  	s1 =	srdreg.scid  }
0x8b: {  	s0 =	sand.u32 $0x1, s1  }
0x8c: {  	s17 =	sshll.u32 s0, $0xA;
	s2 =	sadd.s32 s3, s2  }
0x8d: {  	s2 =	sadd.s32 s2, s17  }
0x8e: {  	[smem:$0x3FC0] =	sst s2  }
0x8f: {  	_ = 	snop  }
0x90: {  	s2 =	sld [smem:$0x3FC9]  }
0x91: {  	s18 =	sld [smem:$0x3FD0];
	(tm) =	ssettm $0x1  }
0x92: {  	s4 =	sld [smem:$0x3FFB];
	_ =	sdelay $0x3  }
0x93: {  	_ =	strace s4  }
0x94: {  	s4 =	sld [smem:$0x3FFC];
	_ =	sdelay $0x3  }
0x95: {  	_ =	strace s4  }
0x96: {  	s4 =	sld [smem:$0x3FFD];
	_ =	sdelay $0x3  }
0x97: {  	_ =	strace s4  }
0x98: {  	_ =	strace $0x8FFFFFFF  }
0x99: {  	s19 =	sld [smem:$0x3FDB];
	_ =	sdelay $0x1  }
0x9a: {  	s5 =	simm.s32 $_scs_section_size  }
0x9b: {  	s6 =	simm.s32 $_size__tile_overlayer_lowered;
	s7 =	simm.s32 $_tile_overlayer_lowered  }
0x9c: {  	s22 =	simm.s32 $0x1BFF;
	s21 =	sshll.u32 s7, $0x1;
	s4 =	sadd.s32 s5, s19  }
0x9d: {  	s8 =	simm.s32 $0x0;
	s20 =	sshll.u32 s6, $0x1;
	s6 =	sadd.s32 s21, s4  }
0x9e: {  	[timem:s8], [sflag:s22] =	dma.local [hbm:s6], s20  }
0x9f: {  	_ =	swait.ge [sflag:s22], s20  }
0xa0: {  	s5 =	ssub.s32 $0x0, s20;
	[sflag:s22] =	ssyncset.done $0x0  }
0xa1: {  	[sflag:s22] =	ssyncadd.s32 s5;
	_ =	sdelay $0x1  }
0xa2: {  	s23 =	simm.s32 $0x1B8B  }
0xa3: {  	_ =	swait.ge [sflag:s23], $0x1  }
0xa4: {  	[sflag:s23] =	ssyncset.done $0x0  }
0xa5: {  	s25 =	simm.s32 $0x1B8E;
	s24 =	sld [smem:$0x3FFE];
	[sflag:s23] =	ssyncadd.s32 $0xFFFFFFFF  }
0xa6: {  	s26 =	simm.s32 $execute0_lowered;
	[smem:$0x3FD2] =	sst s25  }
0xa7: {  	s6 =	sshll.u32 s26, $0x1;
	_ =	strace $0x80000046;
	[dreg:$0x1] =	wrdreg $0xFFFFFFFF  }
0xa8: {  	s28 =	simm.s32 $_size_execute0_lowered;
	s4 =	sadd.s32 s4, s6;
	[dreg:$0x0] =	wrdreg $0x0  }
0xa9: {  	s6 =	sshll.u32 s28, $0x1;
	[dreg:$0x2] =	wrdreg s4  }
0xaa: {  	[dreg:$0x3] =	wrdreg s6  }
0xab: {  	[dreg:$0x4] =	wrdreg $0xC0  }
0xac: {  	_ =	task [dreg:s8], $0x5FFFF  }
0xad: {  	[dreg:$0x1] =	wrdreg $0xFFFFFFFF  }
0xae: {  	[dreg:$0x0] =	wrdreg $0x60  }
0xaf: {  	[dreg:$0x2] =	wrdreg s2  }
0xb0: {  	[dreg:$0x3] =	wrdreg s24  }
0xb1: {  	[dreg:$0x4] =	wrdreg s18  }
0xb2: {  	[dreg:$0x5] =	wrdreg $0xA8800  }
0xb3: {  	[dreg:$0x6] =	wrdreg $0x1E8800  }
0xb4: {  	[dreg:$0x7] =	wrdreg $0x9  }
0xb5: {  	_ =	task.clear_ibuf [dreg:s8], $0x8FFFF;
	_ =	strace $0x90000046  }
0xb6: {  	s29 =	simm.s32 $0x9;
	_ =	strace $0x80000048  }
0xb7: {  	_ =	swait.ge [sflag:s29], $0x1  }
0xb8: {  	[sflag:s29] =	ssyncadd.s32 $0xFFFFFFFF  }
0xb9: {  	_ =	strace $0x90000048  }
0xba: {  	_ =	sfence  }
0xbb: {  	s30 =	sld [smem:$0x0];
	_ =	sdelay $0x2  }
0xbc: {  	s31 =	sshll.u32 s1, $0xD;
	s1 =	sshrl.u32 s1, $0x2  }
0xbd: {  	s3 =	sand.u32 $0x4000, s31;
	s1 =	sadd.s32 s1, s30  }
0xbe: {  	s0 =	sor.u32 s3, s0;
	s1 =	sshll.u32 s1, $0x11  }
0xbf: {  	s0 =	sor.u32 s1, s0  }
0xc0: {  	s0 =	sadd.s32 $0x8F2B, s0  }
0xc1: {  	[sflag:s0] =	ssyncadd.remote.s32 $0x1  }
0xc2: {  	_ =	sfence.sel $0xFFFF  }
0xc3: {  	[dreg:$0x0] =	wrdreg $0xFFFFFFFF;
	(pc) =	sbr.abs _section_cstart, $3  }
0xc4: {  	[dreg:$0x1] =	wrdreg $0xFFFFFFFF  }
0xc5: {  	_ =	task.clear_ibuf [dreg:s8], $0x2FFFF;
	_ =	strace $0x9FFFFFFF  }
0xc6: {  	(tm) =	ssettm $0x7FFFFFFF  }
0xc7: {  	_ =	shalt  }
tec
execute0_lowered:
.L_overlay_start_1:
0x0: {  	(tag) =	ssettag $0x1  }
0x1: {  	s1 =	rddreg [dreg:$0x0];
	s0 =	srdreg.scid  }
0x2: {  	s13 =	stileid.u32;
	s2 =	rddreg [dreg:$0x1]  }
0x3: {  	s14 =	rddreg [dreg:$0x2];
	s5 =	simm.s32 $0x0;
	s17 =	simm.s32 $0x3  }
0x4: {  	s19 =	simm.s32 $0x1400;
	s20 =	simm.s32 $0x80;
	s21 =	simm.s32 $0x2800  }
0x5: {  	s22 =	simm.s32 $0x6800;
	s23 =	simm.s32 $0x1;
	s28 =	simm.s32 $0x2700  }
0x6: {  	s29 =	simm.s32 $0x2780;
	s0 =	sand.u32 $0x1, s0;
	s8 =	smul.u32 $0x14000, s13  }
0x7: {  	s3 =	sshll.u32 s13, $0x1;
	[smem:$0x7FF] =	sst s5;
	s9 =	smul.u32 $0x50000, s13  }
0x8: {  	s24 =	sadd.s32 $0x17000, s2;
	s11 =	smul.u32 $0xA00, s13;
	s30 =	sshll.u32 s13, $0x6  }
0x9: {  	s13 =	smul.u32 $0x500, s13;
	s4 =	sor.u32 s0, s3;
	s3 =	rddreg [dreg:$0x3]  }
0xa: {  	s25 =	sadd.s32 $0x16E00, s2;
	s6 =	smul.u32 $0x2800, s4;
	s4 =	rddreg [dreg:$0x4]  }
0xb: {  	s7 =	smul.u32 $0x140000, s0;
	_ =	strace $0x80000047;
	[dreg:$0x6] =	wrdreg s24  }
0xc: {  	s26 =	ssub.s32 $0x2, s0;
	s0 =	sshll.u32 s0, $0x7;
	[dreg:$0x7] =	wrdreg s25  }
0xd: {  	s10 =	sshrl.u32 s26, $0x1;
	s9 =	sshrl.u32 s9, $0x2;
	s31 =	sshrl.u32 s11, $0x2  }
0xe: {  	s0 =	sor.u32 s0, s13;
	s24 =	simm.s32 $0xA800;
	s25 =	simm.s32 $0x2  }
0xf: {  	s7 =	sadd.s32 s8, s7;
	s15 =	ssub.s32 s26, s10;
	s16 =	sadd.s32 s9, s3  }
0x10: {  	s18 =	sadd.s32 s31, s4;
	s0 =	sshrl.u32 s0, $0x3;
	s26 =	simm.s32 $0x1380  }
0x11: {  	s6 =	sshrl.u32 s6, $0x3;
	s8 =	sshrl.u32 s7, $0x3;
	s14 =	sadd.s32 s14, s0  }
0x12: {  	s15 =	smax.u32 s15, $0x1;
	s16 =	sshrl.u32 s16, $0x3;
	s18 =	sshrl.u32 s18, $0x3  }
0x13: {  	s12 =	sadd.s32 s6, s2;
	s2 =	sadd.s32 s8, s2;
	s8 =	sor.u32 $0x1C03, s30  }
0x14: {  	s9 =	sadd.s32 $0x2E00, s12;
	s10 =	sadd.s32 $0xCE00, s12;
	s11 =	sadd.s32 $0x3080, s12  }
0x15: {  	v0 =	vimm.f32 $1.000000000e+00;
	s12 =	sadd.s32 $0xD080, s12;
	s13 =	sadd.s32 $0x19800, s2;
	s2 =	simm.s32 $0x0  }
.LBB2_1:
0x16: {  	s0 =	rddreg [dreg:$0x6]  }
0x17: {  	[spmem:s16], [sflag:s8] =	dma.local [hbm:s0], $0x2800  }
0x18: {  	_ =	swait.ge [sflag:s17], $0x2800  }
0x19: {  	[sflag:s17] =	ssyncset.done $0x0  }
0x1a: {  	s7 =	rddreg [dreg:$0x7];
	[sflag:s17] =	ssyncadd.s32 $0xFFFFD800  }
0x1b: {  	[spmem:s18], [sflag:s8] =	dma.local [hbm:s7], $0x50  }
0x1c: {  	_ =	swait.ge [sflag:s17], $0x50  }
0x1d: {  	[sflag:s17] =	ssyncset.done $0x0  }
0x1e: {  	[sflag:s17] =	ssyncadd.s32 $0xFFFFFFB0  }
0x1f: {  	[tilespmem:$0xA800] =	vst v0  }
0x20: {  	[tilespmem:$0xA810] =	vst v0  }
0x21: {  	[tilespmem:$0xA820] =	vst v0  }
0x22: {  	[tilespmem:$0xA830] =	vst v0  }
0x23: {  	[tilespmem:$0xA840] =	vst v0  }
0x24: {  	[tilespmem:$0xA850] =	vst v0  }
0x25: {  	[tilespmem:$0xA860] =	vst v0  }
0x26: {  	[tilespmem:$0xA870] =	vst v0  }
0x27: {  	[bflag:$0x0] =	sbarrier.arrive $0xFFFF  }
0x28: {  	[tilespmem:s5], [sflag:$0x3] =	stream.linear.gather [hbm4b:s9+s5], $0x1400, $0x38;
	[tilespmem:$0x1EB00] =	vst v63  }
0x29: {  	_ =	swait.ge [sflag:s17], $0x1400  }
0x2a: {  	[sflag:s17] =	ssyncset.done $0x0  }
0x2b: {  	[sflag:s17] =	ssyncadd.s32 $0xFFFFEC00  }
0x2c: {  	[tilespmem:s19], [sflag:$0x3] =	stream.linear.gather [hbm4b:s10+s5], $0x1400, $0x38;
	[tilespmem:$0x1EB00] =	vst v63  }
0x2d: {  	_ =	swait.ge [sflag:s17], $0x1400  }
0x2e: {  	[sflag:s17] =	ssyncset.done $0x0  }
0x2f: {  	[sflag:s17] =	ssyncadd.s32 $0xFFFFEC00  }
0x30: {  	[tilespmem:s21], [sflag:$0x1] =	stream.indirect.gather [hbm4b:s1+s20], $0x80, s5, s20, $0xb8;
	[tilespmem:$0x1EB00] =	vst v63  }
0x31: {  	s31 =	simm.s32 $0x80  }
0x32: {  	[tilespmem:s22], [sflag:$0x2] =	stream.indirect.gather [hbm4b:s1+s20], $0x80, s31, s20, $0xb8;
	[tilespmem:$0x1EB00] =	vst v63  }
0x33: {  	_ =	swait.ge [sflag:s23], $0x4000  }
0x34: {  	[sflag:s23] =	ssyncset.done $0x0  }
0x35: {  	s6 =	simm.s32 $0x1400;
	[sflag:s23] =	ssyncadd.s32 $0xFFFFC000  }
0x36: {  	[spmem:s3] =	stream.indirect.scatter.add.f32 [tilespmem:s21], [sflag:$0x3], $0x80, s6, s20, $0xb8;
	[tilespmem:$0x1EB00] =	vst v63  }
0x37: {  	_ =	swait.ge [sflag:s17], $0x4000  }
0x38: {  	[sflag:s17] =	ssyncset.done $0x0  }
0x39: {  	[sflag:s17] =	ssyncadd.s32 $0xFFFFC000  }
0x3a: {  	[spmem:s4] =	stream.indirect.scatter.add.f32 [tilespmem:s24], [sflag:$0x3], $0x1, s6, s20, $0xb8;
	[tilespmem:$0x1EB00] =	vst v63  }
0x3b: {  	_ =	swait.ge [sflag:s17], $0x80  }
0x3c: {  	[sflag:s17] =	ssyncset.done $0x0  }
0x3d: {  	s7 =	simm.s32 $0x100;
	[sflag:s17] =	ssyncadd.s32 $0xFFFFFF80  }
0x3e: {  	[tilespmem:s21], [sflag:$0x1] =	stream.indirect.gather [hbm4b:s1+s20], $0x80, s7, s20, $0xb8;
	[tilespmem:$0x1EB00] =	vst v63  }
0x3f: {  	_ =	swait.ge [sflag:s25], $0x4000  }
0x40: {  	[sflag:s25] =	ssyncset.done $0x0  }
0x41: {  	s31 =	simm.s32 $0x1480;
	[sflag:s25] =	ssyncadd.s32 $0xFFFFC000  }
0x42: {  	[spmem:s3] =	stream.indirect.scatter.add.f32 [tilespmem:s22], [sflag:$0x3], $0x80, s31, s20, $0xb8;
	[tilespmem:$0x1EB00] =	vst v63  }
0x43: {  	_ =	swait.ge [sflag:s17], $0x4000  }
0x44: {  	[sflag:s17] =	ssyncset.done $0x0  }
0x45: {  	[sflag:s17] =	ssyncadd.s32 $0xFFFFC000  }
0x46: {  	[spmem:s4] =	stream.indirect.scatter.add.f32 [tilespmem:s24], [sflag:$0x3], $0x1, s31, s20, $0xb8;
	[tilespmem:$0x1EB00] =	vst v63  }
0x47: {  	_ =	swait.ge [sflag:s17], $0x80  }
0x48: {  	s30 =	simm.s32 $0x800;
	s0 =	simm.s32 $0x100;
	[sflag:s17] =	ssyncset.done $0x0  }
.LBB2_2:
0x49: {  	s31 =	sadd.s32 $0x80, s0  }
0x4a: {  	[sflag:s17] =	ssyncadd.s32 $0xFFFFFF80;
	s6 =	smov.u32 s30;
	s7 =	sadd.s32 $0x400, s30  }
0x4b: {  	[tilespmem:s22], [sflag:$0x2] =	stream.indirect.gather [hbm4b:s1+s20], $0x80, s31, s20, $0xb8;
	[tilespmem:$0x1EB00] =	vst v63  }
0x4c: {  	p0 =	sne.s32 s30, $0x4800;
	_ =	swait.ge [sflag:s23], $0x4000  }
0x4d: {  	[sflag:s23] =	ssyncset.done $0x0  }
0x4e: {  	s30 =	sadd.s32 $0x1400, s0;
	[sflag:s23] =	ssyncadd.s32 $0xFFFFC000  }
0x4f: {  	[spmem:s3] =	stream.indirect.scatter.add.f32 [tilespmem:s21], [sflag:$0x3], $0x80, s30, s20, $0xb8;
	[tilespmem:$0x1EB00] =	vst v63  }
0x50: {  	_ =	swait.ge [sflag:s17], $0x4000  }
0x51: {  	[sflag:s17] =	ssyncset.done $0x0  }
0x52: {  	[sflag:s17] =	ssyncadd.s32 $0xFFFFC000  }
0x53: {  	[spmem:s4] =	stream.indirect.scatter.add.f32 [tilespmem:s24], [sflag:$0x3], $0x1, s30, s20, $0xb8;
	[tilespmem:$0x1EB00] =	vst v63  }
0x54: {  	_ =	swait.ge [sflag:s17], $0x80  }
0x55: {  	[sflag:s17] =	ssyncset.done $0x0  }
0x56: {  	s30 =	sadd.s32 $0x100, s0;
	[sflag:s17] =	ssyncadd.s32 $0xFFFFFF80  }
0x57: {  	[tilespmem:s21], [sflag:$0x1] =	stream.indirect.gather [hbm4b:s1+s20], $0x80, s30, s20, $0xb8;
	[tilespmem:$0x1EB00] =	vst v63  }
0x58: {  	_ =	swait.ge [sflag:s25], $0x4000  }
0x59: {  	[sflag:s25] =	ssyncset.done $0x0  }
0x5a: {  	s0 =	sadd.s32 $0x1480, s0;
	[sflag:s25] =	ssyncadd.s32 $0xFFFFC000  }
0x5b: {  	[spmem:s3] =	stream.indirect.scatter.add.f32 [tilespmem:s22], [sflag:$0x3], $0x80, s0, s20, $0xb8;
	[tilespmem:$0x1EB00] =	vst v63  }
0x5c: {  	_ =	swait.ge [sflag:s17], $0x4000  }
.Ltmp0:
0x5d: {  	[sflag:s17] =	ssyncset.done $0x0;
	(pc) =	sbr.rel @p0 .LBB2_2-.Ltmp0, $4  }
0x5e: {  	[sflag:s17] =	ssyncadd.s32 $0xFFFFC000  }
0x5f: {  	[spmem:s4] =	stream.indirect.scatter.add.f32 [tilespmem:s24], [sflag:$0x3], $0x1, s0, s20, $0xb8;
	[tilespmem:$0x1EB00] =	vst v63  }
0x60: {  	_ =	swait.ge [sflag:s17], $0x80  }
0x61: {  	s30 =	smov.u32 s7;
	s0 =	sshra.s32 s6, $0x2;
	[sflag:s17] =	ssyncset.done $0x0  }
0x62: {  	s6 =	sadd.s32 $0x80, s0;
	[sflag:s17] =	ssyncadd.s32 $0xFFFFFF80  }
0x63: {  	[tilespmem:s22], [sflag:$0x2] =	stream.indirect.gather [hbm4b:s1+s20], $0x80, s6, s20, $0xb8;
	[tilespmem:$0x1EB00] =	vst v63  }
0x64: {  	_ =	swait.ge [sflag:s23], $0x4000  }
0x65: {  	[sflag:s23] =	ssyncset.done $0x0  }
0x66: {  	s7 =	sadd.s32 $0x1400, s0;
	[sflag:s23] =	ssyncadd.s32 $0xFFFFC000  }
0x67: {  	[spmem:s3] =	stream.indirect.scatter.add.f32 [tilespmem:s21], [sflag:$0x3], $0x80, s7, s20, $0xb8;
	[tilespmem:$0x1EB00] =	vst v63  }
0x68: {  	_ =	swait.ge [sflag:s17], $0x4000  }
0x69: {  	[sflag:s17] =	ssyncset.done $0x0  }
0x6a: {  	[sflag:s17] =	ssyncadd.s32 $0xFFFFC000  }
0x6b: {  	[spmem:s4] =	stream.indirect.scatter.add.f32 [tilespmem:s24], [sflag:$0x3], $0x1, s7, s20, $0xb8;
	[tilespmem:$0x1EB00] =	vst v63  }
0x6c: {  	_ =	swait.ge [sflag:s17], $0x80  }
0x6d: {  	[sflag:s17] =	ssyncset.done $0x0  }
0x6e: {  	s31 =	sadd.s32 $0x100, s0;
	[sflag:s17] =	ssyncadd.s32 $0xFFFFFF80  }
0x6f: {  	[tilespmem:s21], [sflag:$0x1] =	stream.indirect.gather [hbm4b:s1+s20], $0x80, s31, s20, $0xb8;
	[tilespmem:$0x1EB00] =	vst v63  }
0x70: {  	_ =	swait.ge [sflag:s25], $0x4000  }
0x71: {  	[sflag:s25] =	ssyncset.done $0x0  }
0x72: {  	s6 =	sadd.s32 $0x1480, s0;
	[sflag:s25] =	ssyncadd.s32 $0xFFFFC000  }
0x73: {  	[spmem:s3] =	stream.indirect.scatter.add.f32 [tilespmem:s22], [sflag:$0x3], $0x80, s6, s20, $0xb8;
	[tilespmem:$0x1EB00] =	vst v63  }
0x74: {  	_ =	swait.ge [sflag:s17], $0x4000  }
0x75: {  	[sflag:s17] =	ssyncset.done $0x0  }
0x76: {  	[sflag:s17] =	ssyncadd.s32 $0xFFFFC000  }
0x77: {  	[spmem:s4] =	stream.indirect.scatter.add.f32 [tilespmem:s24], [sflag:$0x3], $0x1, s6, s20, $0xb8;
	[tilespmem:$0x1EB00] =	vst v63  }
0x78: {  	_ =	swait.ge [sflag:s17], $0x80  }
0x79: {  	[sflag:s17] =	ssyncset.done $0x0  }
0x7a: {  	[sflag:s17] =	ssyncadd.s32 $0xFFFFFF80  }
0x7b: {  	[tilespmem:s22], [sflag:$0x2] =	stream.indirect.gather [hbm4b:s1+s20], $0x80, s26, s20, $0xb8;
	[tilespmem:$0x1EB00] =	vst v63  }
0x7c: {  	_ =	swait.ge [sflag:s23], $0x4000  }
0x7d: {  	[sflag:s23] =	ssyncset.done $0x0  }
0x7e: {  	[sflag:s23] =	ssyncadd.s32 $0xFFFFC000  }
0x7f: {  	[spmem:s3] =	stream.indirect.scatter.add.f32 [tilespmem:s21], [sflag:$0x3], $0x80, s28, s20, $0xb8;
	[tilespmem:$0x1EB00] =	vst v63  }
0x80: {  	_ =	swait.ge [sflag:s17], $0x4000  }
0x81: {  	[sflag:s17] =	ssyncset.done $0x0  }
0x82: {  	[sflag:s17] =	ssyncadd.s32 $0xFFFFC000  }
0x83: {  	[spmem:s4] =	stream.indirect.scatter.add.f32 [tilespmem:s24], [sflag:$0x3], $0x1, s28, s20, $0xb8;
	[tilespmem:$0x1EB00] =	vst v63  }
0x84: {  	_ =	swait.ge [sflag:s17], $0x80  }
0x85: {  	[sflag:s17] =	ssyncset.done $0x0  }
0x86: {  	[sflag:s17] =	ssyncadd.s32 $0xFFFFFF80  }
0x87: {  	_ =	swait.ge [sflag:s25], $0x4000  }
0x88: {  	[sflag:s25] =	ssyncset.done $0x0  }
0x89: {  	[sflag:s25] =	ssyncadd.s32 $0xFFFFC000  }
0x8a: {  	[spmem:s3] =	stream.indirect.scatter.add.f32 [tilespmem:s22], [sflag:$0x3], $0x80, s29, s20, $0xb8;
	[tilespmem:$0x1EB00] =	vst v63  }
0x8b: {  	_ =	swait.ge [sflag:s17], $0x4000  }
0x8c: {  	[sflag:s17] =	ssyncset.done $0x0  }
0x8d: {  	[sflag:s17] =	ssyncadd.s32 $0xFFFFC000  }
0x8e: {  	[spmem:s4] =	stream.indirect.scatter.add.f32 [tilespmem:s24], [sflag:$0x3], $0x1, s29, s20, $0xb8;
	[tilespmem:$0x1EB00] =	vst v63  }
0x8f: {  	_ =	swait.ge [sflag:s17], $0x80  }
0x90: {  	[sflag:s17] =	ssyncset.done $0x0  }
0x91: {  	s7 =	simm.s32 $0x0;
	[sflag:s17] =	ssyncadd.s32 $0xFFFFFF80  }
0x92: {  	[tilespmem:s7], [sflag:$0x3] =	stream.linear.gather [hbm4b:s11+s7], $0x1400, $0x38;
	[tilespmem:$0x1EB00] =	vst v63  }
0x93: {  	_ =	swait.ge [sflag:s17], $0x1400  }
0x94: {  	[sflag:s17] =	ssyncset.done $0x0  }
0x95: {  	[sflag:s17] =	ssyncadd.s32 $0xFFFFEC00  }
0x96: {  	[tilespmem:s19], [sflag:$0x3] =	stream.linear.gather [hbm4b:s12+s7], $0x1400, $0x38;
	[tilespmem:$0x1EB00] =	vst v63  }
0x97: {  	_ =	swait.ge [sflag:s17], $0x1400  }
0x98: {  	[sflag:s17] =	ssyncset.done $0x0  }
0x99: {  	[sflag:s17] =	ssyncadd.s32 $0xFFFFEC00  }
0x9a: {  	[tilespmem:s21], [sflag:$0x1] =	stream.indirect.gather [hbm4b:s1+s20], $0x80, s7, s20, $0xb8;
	[tilespmem:$0x1EB00] =	vst v63  }
0x9b: {  	s31 =	simm.s32 $0x80  }
0x9c: {  	[tilespmem:s22], [sflag:$0x2] =	stream.indirect.gather [hbm4b:s1+s20], $0x80, s31, s20, $0xb8;
	[tilespmem:$0x1EB00] =	vst v63  }
0x9d: {  	_ =	swait.ge [sflag:s23], $0x4000  }
0x9e: {  	[sflag:s23] =	ssyncset.done $0x0  }
0x9f: {  	s6 =	simm.s32 $0x1400;
	[sflag:s23] =	ssyncadd.s32 $0xFFFFC000  }
0xa0: {  	[spmem:s3] =	stream.indirect.scatter.add.f32 [tilespmem:s21], [sflag:$0x3], $0x80, s6, s20, $0xb8;
	[tilespmem:$0x1EB00] =	vst v63  }
0xa1: {  	_ =	swait.ge [sflag:s17], $0x4000  }
0xa2: {  	[sflag:s17] =	ssyncset.done $0x0  }
0xa3: {  	[sflag:s17] =	ssyncadd.s32 $0xFFFFC000  }
0xa4: {  	[spmem:s4] =	stream.indirect.scatter.add.f32 [tilespmem:s24], [sflag:$0x3], $0x1, s6, s20, $0xb8;
	[tilespmem:$0x1EB00] =	vst v63  }
0xa5: {  	_ =	swait.ge [sflag:s17], $0x80  }
0xa6: {  	[sflag:s17] =	ssyncset.done $0x0  }
0xa7: {  	s7 =	simm.s32 $0x100;
	[sflag:s17] =	ssyncadd.s32 $0xFFFFFF80  }
0xa8: {  	[tilespmem:s21], [sflag:$0x1] =	stream.indirect.gather [hbm4b:s1+s20], $0x80, s7, s20, $0xb8;
	[tilespmem:$0x1EB00] =	vst v63  }
0xa9: {  	_ =	swait.ge [sflag:s25], $0x4000  }
0xaa: {  	[sflag:s25] =	ssyncset.done $0x0  }
0xab: {  	s31 =	simm.s32 $0x1480;
	[sflag:s25] =	ssyncadd.s32 $0xFFFFC000  }
0xac: {  	[spmem:s3] =	stream.indirect.scatter.add.f32 [tilespmem:s22], [sflag:$0x3], $0x80, s31, s20, $0xb8;
	[tilespmem:$0x1EB00] =	vst v63  }
0xad: {  	_ =	swait.ge [sflag:s17], $0x4000  }
0xae: {  	[sflag:s17] =	ssyncset.done $0x0  }
0xaf: {  	[sflag:s17] =	ssyncadd.s32 $0xFFFFC000  }
0xb0: {  	[spmem:s4] =	stream.indirect.scatter.add.f32 [tilespmem:s24], [sflag:$0x3], $0x1, s31, s20, $0xb8;
	[tilespmem:$0x1EB00] =	vst v63  }
0xb1: {  	_ =	swait.ge [sflag:s17], $0x80  }
0xb2: {  	s30 =	simm.s32 $0x800;
	s0 =	simm.s32 $0x100;
	[sflag:s17] =	ssyncset.done $0x0  }
.LBB2_4:
0xb3: {  	s6 =	sadd.s32 $0x80, s0  }
0xb4: {  	[sflag:s17] =	ssyncadd.s32 $0xFFFFFF80;
	s7 =	smov.u32 s30;
	s31 =	sadd.s32 $0x400, s30  }
0xb5: {  	[tilespmem:s22], [sflag:$0x2] =	stream.indirect.gather [hbm4b:s1+s20], $0x80, s6, s20, $0xb8;
	[tilespmem:$0x1EB00] =	vst v63  }
0xb6: {  	p0 =	sne.s32 s30, $0x4800;
	_ =	swait.ge [sflag:s23], $0x4000  }
0xb7: {  	[sflag:s23] =	ssyncset.done $0x0  }
0xb8: {  	s6 =	sadd.s32 $0x1400, s0;
	[sflag:s23] =	ssyncadd.s32 $0xFFFFC000  }
0xb9: {  	[spmem:s3] =	stream.indirect.scatter.add.f32 [tilespmem:s21], [sflag:$0x3], $0x80, s6, s20, $0xb8;
	[tilespmem:$0x1EB00] =	vst v63  }
0xba: {  	_ =	swait.ge [sflag:s17], $0x4000  }
0xbb: {  	[sflag:s17] =	ssyncset.done $0x0  }
0xbc: {  	[sflag:s17] =	ssyncadd.s32 $0xFFFFC000  }
0xbd: {  	[spmem:s4] =	stream.indirect.scatter.add.f32 [tilespmem:s24], [sflag:$0x3], $0x1, s6, s20, $0xb8;
	[tilespmem:$0x1EB00] =	vst v63  }
0xbe: {  	_ =	swait.ge [sflag:s17], $0x80  }
0xbf: {  	[sflag:s17] =	ssyncset.done $0x0  }
0xc0: {  	s6 =	sadd.s32 $0x100, s0;
	[sflag:s17] =	ssyncadd.s32 $0xFFFFFF80  }
0xc1: {  	[tilespmem:s21], [sflag:$0x1] =	stream.indirect.gather [hbm4b:s1+s20], $0x80, s6, s20, $0xb8;
	[tilespmem:$0x1EB00] =	vst v63  }
0xc2: {  	_ =	swait.ge [sflag:s25], $0x4000  }
0xc3: {  	[sflag:s25] =	ssyncset.done $0x0  }
0xc4: {  	s0 =	sadd.s32 $0x1480, s0;
	[sflag:s25] =	ssyncadd.s32 $0xFFFFC000  }
0xc5: {  	[spmem:s3] =	stream.indirect.scatter.add.f32 [tilespmem:s22], [sflag:$0x3], $0x80, s0, s20, $0xb8;
	[tilespmem:$0x1EB00] =	vst v63  }
0xc6: {  	_ =	swait.ge [sflag:s17], $0x4000  }
.Ltmp1:
0xc7: {  	[sflag:s17] =	ssyncset.done $0x0;
	(pc) =	sbr.rel @p0 .LBB2_4-.Ltmp1, $4  }
0xc8: {  	[sflag:s17] =	ssyncadd.s32 $0xFFFFC000  }
0xc9: {  	[spmem:s4] =	stream.indirect.scatter.add.f32 [tilespmem:s24], [sflag:$0x3], $0x1, s0, s20, $0xb8;
	[tilespmem:$0x1EB00] =	vst v63  }
0xca: {  	_ =	swait.ge [sflag:s17], $0x80  }
0xcb: {  	s30 =	smov.u32 s31;
	s0 =	sshra.s32 s7, $0x2;
	[sflag:s17] =	ssyncset.done $0x0  }
0xcc: {  	s6 =	sadd.s32 $0x80, s0;
	[sflag:s17] =	ssyncadd.s32 $0xFFFFFF80  }
0xcd: {  	[tilespmem:s22], [sflag:$0x2] =	stream.indirect.gather [hbm4b:s1+s20], $0x80, s6, s20, $0xb8;
	[tilespmem:$0x1EB00] =	vst v63  }
0xce: {  	_ =	swait.ge [sflag:s23], $0x4000  }
0xcf: {  	[sflag:s23] =	ssyncset.done $0x0  }
0xd0: {  	s30 =	sadd.s32 $0x1400, s0;
	[sflag:s23] =	ssyncadd.s32 $0xFFFFC000  }
0xd1: {  	[spmem:s3] =	stream.indirect.scatter.add.f32 [tilespmem:s21], [sflag:$0x3], $0x80, s30, s20, $0xb8;
	[tilespmem:$0x1EB00] =	vst v63  }
0xd2: {  	_ =	swait.ge [sflag:s17], $0x4000  }
0xd3: {  	[sflag:s17] =	ssyncset.done $0x0  }
0xd4: {  	[sflag:s17] =	ssyncadd.s32 $0xFFFFC000  }
0xd5: {  	[spmem:s4] =	stream.indirect.scatter.add.f32 [tilespmem:s24], [sflag:$0x3], $0x1, s30, s20, $0xb8;
	[tilespmem:$0x1EB00] =	vst v63  }
0xd6: {  	_ =	swait.ge [sflag:s17], $0x80  }
0xd7: {  	[sflag:s17] =	ssyncset.done $0x0  }
0xd8: {  	s31 =	sadd.s32 $0x100, s0;
	[sflag:s17] =	ssyncadd.s32 $0xFFFFFF80  }
0xd9: {  	[tilespmem:s21], [sflag:$0x1] =	stream.indirect.gather [hbm4b:s1+s20], $0x80, s31, s20, $0xb8;
	[tilespmem:$0x1EB00] =	vst v63  }
0xda: {  	_ =	swait.ge [sflag:s25], $0x4000  }
0xdb: {  	[sflag:s25] =	ssyncset.done $0x0  }
0xdc: {  	s7 =	sadd.s32 $0x1480, s0;
	[sflag:s25] =	ssyncadd.s32 $0xFFFFC000  }
0xdd: {  	[spmem:s3] =	stream.indirect.scatter.add.f32 [tilespmem:s22], [sflag:$0x3], $0x80, s7, s20, $0xb8;
	[tilespmem:$0x1EB00] =	vst v63  }
0xde: {  	_ =	swait.ge [sflag:s17], $0x4000  }
0xdf: {  	[sflag:s17] =	ssyncset.done $0x0  }
0xe0: {  	[sflag:s17] =	ssyncadd.s32 $0xFFFFC000  }
0xe1: {  	[spmem:s4] =	stream.indirect.scatter.add.f32 [tilespmem:s24], [sflag:$0x3], $0x1, s7, s20, $0xb8;
	[tilespmem:$0x1EB00] =	vst v63  }
0xe2: {  	_ =	swait.ge [sflag:s17], $0x80  }
0xe3: {  	[sflag:s17] =	ssyncset.done $0x0  }
0xe4: {  	[sflag:s17] =	ssyncadd.s32 $0xFFFFFF80  }
0xe5: {  	[tilespmem:s22], [sflag:$0x2] =	stream.indirect.gather [hbm4b:s1+s20], $0x80, s26, s20, $0xb8;
	[tilespmem:$0x1EB00] =	vst v63  }
0xe6: {  	_ =	swait.ge [sflag:s23], $0x4000  }
0xe7: {  	[sflag:s23] =	ssyncset.done $0x0  }
0xe8: {  	[sflag:s23] =	ssyncadd.s32 $0xFFFFC000  }
0xe9: {  	[spmem:s3] =	stream.indirect.scatter.add.f32 [tilespmem:s21], [sflag:$0x3], $0x80, s28, s20, $0xb8;
	[tilespmem:$0x1EB00] =	vst v63  }
0xea: {  	_ =	swait.ge [sflag:s17], $0x4000  }
0xeb: {  	[sflag:s17] =	ssyncset.done $0x0  }
0xec: {  	[sflag:s17] =	ssyncadd.s32 $0xFFFFC000  }
0xed: {  	[spmem:s4] =	stream.indirect.scatter.add.f32 [tilespmem:s24], [sflag:$0x3], $0x1, s28, s20, $0xb8;
	[tilespmem:$0x1EB00] =	vst v63  }
0xee: {  	_ =	swait.ge [sflag:s17], $0x80  }
0xef: {  	[sflag:s17] =	ssyncset.done $0x0  }
0xf0: {  	[sflag:s17] =	ssyncadd.s32 $0xFFFFFF80  }
0xf1: {  	_ =	swait.ge [sflag:s25], $0x4000  }
0xf2: {  	[sflag:s25] =	ssyncset.done $0x0  }
0xf3: {  	[sflag:s25] =	ssyncadd.s32 $0xFFFFC000  }
0xf4: {  	[spmem:s3] =	stream.indirect.scatter.add.f32 [tilespmem:s22], [sflag:$0x3], $0x80, s29, s20, $0xb8;
	[tilespmem:$0x1EB00] =	vst v63  }
0xf5: {  	_ =	swait.ge [sflag:s17], $0x4000  }
0xf6: {  	[sflag:s17] =	ssyncset.done $0x0  }
0xf7: {  	[sflag:s17] =	ssyncadd.s32 $0xFFFFC000  }
0xf8: {  	[spmem:s4] =	stream.indirect.scatter.add.f32 [tilespmem:s24], [sflag:$0x3], $0x1, s29, s20, $0xb8;
	[tilespmem:$0x1EB00] =	vst v63  }
0xf9: {  	_ =	swait.ge [sflag:s17], $0x80  }
0xfa: {  	[sflag:s17] =	ssyncset.done $0x0  }
0xfb: {  	[sflag:s17] =	ssyncadd.s32 $0xFFFFFF80  }
0xfc: {  	[bflag:$0x0] =	sbarrier.arrive $0xFFFF  }
0xfd: {  	[hbm:s13], [sflag:s8] =	dma.local [spmem:s16], $0x2800  }
0xfe: {  	s2 =	sadd.s32 $0x1, s2;
	_ =	swait.ge [sflag:s17], $0x2800  }
0xff: {  	p0 =	sne.s32 s2, s15;
	s30 =	simm.s32 $0x20;
	[sflag:s17] =	ssyncset.done $0x0  }
.Ltmp2:
0x100: {  	s31 =	simm.s32 $0x10;
	[sflag:s17] =	ssyncadd.s32 $0xFFFFD800;
	(pc) =	sbr.rel @p0 .LBB2_1-.Ltmp2, $4  }
0x101: {  	[hbm:s14@s30], [sflag:s8] =	dma.strided [spmem:s18@s31], $0x50, s23, $0x10   }
0x102: {  	_ =	swait.ge [sflag:s17], $0x50  }
0x103: {  	[sflag:s17] =	ssyncset.done $0x0  }
0x104: {  	[sflag:s17] =	ssyncadd.s32 $0xFFFFFFB0  }
0x105: {  	_ =	sfence.sel $0x180000  }
0x106: {  	[bflag:$0x0] =	sbarrier.arrive $0xFFFF  }
0x107: {  	_ =	strace $0x90000047  }
0x108: {  	s0 =	stileid.u32;
	[bflag:$0x2] =	sbarrier.arrive $0xFFFF  }
0x109: {  	p0 =	sne.s32 s0, $0x0;
	s0 =	rddreg [dreg:$0x5]  }
0x10a: {  	s0 =	sadd.s32 @!p0 $0x100000, s0  }
0x10b: {  	[sflag:s0] =	ssyncadd.tile.s32 @!p0 $0x1;
	_ =	shalt  }
.Lfunc_end2:
_tile_overlayer_lowered:
.L_overlay_start_2:
0x10c: {  	(tag) =	ssettag $0x2  }
0x10d: {  	s0 =	rddreg [dreg:$0x0];
	s2 =	stileid.u32  }
0x10e: {  	s1 =	rddreg [dreg:$0x1];
	p0 =	sne.s32 s2, $0x0  }
0x10f: {  	s3 =	rddreg [dreg:$0x2];
	[bflag:$0x3] =	sbarrier.arrive $0xFFFF;
	s2 =	simm.s32 @!p0 $0x1C03  }
0x110: {  	[timem:s3], [sflag:s2] =	dma.local @!p0 [hbm:s0], s1  }
0x111: {  	s0 =	simm.s32 @!p0 $0x3  }
0x112: {  	_ =	swait.ge @!p0 [sflag:s0], s1  }
0x113: {  	s1 =	ssub.s32 @!p0 $0x0, s1;
	[sflag:s0] =	ssyncset.done @!p0 $0x0  }
0x114: {  	[sflag:s0] =	ssyncadd.s32 @!p0 s1  }
0x115: {  	[bflag:$0x3] =	sbarrier.arrive $0xFFFF  }
0x116: {  	_ =	shalt  }

// kernel: kernel.9.cloned.1.call-start
scs
__scs_entry_jumppad:
0x0: {  	(pc) =	sbr.rel $0x88, $3  }
0x1: {  	(tag) =	ssettag $0x0;
	lr =	simm.s32 $0x1  }
0x2: {  	[smem:$0x3F99] =	sst lr;
	_ =	strace $0xD0000000  }
0x3: {  	_ = 	snop  }
0x4: {  	_ = 	snop  }
0x5: {  	_ = 	snop  }
0x6: {  	_ = 	snop  }
0x7: {  	_ = 	snop  }
__scs_overlays_trampoline_lowered:
0x8: {  	[smem:$0x3FA8] =	sst s0  }
0x9: {  	[smem:$0x3FA9] =	sst s1  }
0xa: {  	[smem:$0x3FAA] =	sst s2  }
0xb: {  	[smem:$0x3FAB] =	sst s3  }
0xc: {  	[smem:$0x3FAC] =	sst s4  }
0xd: {  	[smem:$0x3FAD] =	sst s5  }
0xe: {  	[smem:$0x3FAE] =	sst s6  }
0xf: {  	[smem:$0x3FAF] =	sst s7  }
0x10: {  	[smem:$0x3FB0] =	sst s8  }
0x11: {  	[smem:$0x3FB1] =	sst s9;
	s0 =	simm.s32 @!p0 $0x0  }
0x12: {  	s1 =	sld [smem:$0x3F97];
	s0 =	simm.s32 @p0 $0x1  }
0x13: {  	[smem:$0x3FB2] =	sst s0;
	s0 =	simm.s32 @!p1 $0x0  }
0x14: {  	s2 =	sld [smem:$0x3F96];
	s0 =	simm.s32 @p1 $0x1  }
0x15: {  	[smem:$0x3FB3] =	sst s0;
	s0 =	simm.s32 @!p2 $0x0  }
0x16: {  	s3 =	sld [smem:$0x3FDB];
	s0 =	simm.s32 @p2 $0x1  }
0x17: {  	s4 =	simm.s32 $0x1BF5;
	[smem:$0x3FB5] =	sst s0  }
0x18: {  	s0 =	sld [smem:$0x3F98];
	_ =	swait.ge [sflag:s4], $0x0  }
0x19: {  	s7 =	sld [smem:$0x3F99]  }
0x1a: {  	s8 =	sadd.s32 $0xFFFFE003, lr  }
0x1b: {  	s9 =	sadd.s32 $0xFFFFFEF7, lr;
	s5 =	simm.s32 $0xFFFFFFFF;
	p2 =	slt.u32 s8, $0xFFFFF086  }
0x1c: {  	p1 =	slt.u32 s9, $0xF7A;
	s5 =	simm.s32 @!p2 $0x0  }
0x1d: {  	s5 =	simm.s32 @p1 $0x1;
	p0 =	seq.s32 s7, s2  }
0x1e: {  	s7 =	smul.u32 @!p0 $0xF7A, s2;
	p2 =	seq.s32 @!p0 s5, $0x0  }
0x1f: {  	s9 =	smul.u32 $0xF7A, s1;
	s8 =	simm.s32 @!p0 $0x1BF5;
	p2 =	por !p2, p0  }
0x20: {  	[sflag:s8] =	ssyncset.s32 @!p0 $0xFFFFF086;
	s6 =	sadd.s32 @!p0 s3, s7;
	s7 =	simm.s32 @!p0 $0x108  }
0x21: {  	s3 =	sadd.s32 s3, s9;
	s6 =	sadd.s32 @!p0 $0x88, s6;
	s7 =	simm.s32 @p2 $0x1082  }
0x22: {  	[simem:s7], [sflag:s8] =	dma.local @!p0 [hbm:s6], $0xF7A  }
0x23: {  	s9 =	sor.u32 $0xD0000000, s2;
	s6 =	simm.s32 $0x108;
	_ =	swait.ge @!p0 [sflag:s8], $0x0  }
0x24: {  	s3 =	sadd.s32 $0x88, s3;
	s6 =	simm.s32 @!p1 $0x1082;
	[sflag:s4] =	ssyncset.s32 $0xFFFFF086  }
0x25: {  	[simem:s6], [sflag:s4] =	dma.local [hbm:s3], $0xF7A  }
0x26: {  	[smem:$0x3F99] =	sst s1;
	(tag) =	ssettag s2;
	_ =	strace s9  }
0x27: {  	s1 =	sld [smem:$0x3FA9]  }
0x28: {  	s2 =	sld [smem:$0x3FAA]  }
0x29: {  	s4 =	sld [smem:$0x3FAC]  }
0x2a: {  	p0 =	seq.s32 s5, $0x0;
	s5 =	sld [smem:$0x3FAD]  }
0x2b: {  	s6 =	sld [smem:$0x3FAE]  }
0x2c: {  	s7 =	sld [smem:$0x3FAF]  }
0x2d: {  	s3 =	simm.s32 $0x108;
	s8 =	sld [smem:$0x3FB0]  }
0x2e: {  	s3 =	simm.s32 @!p0 $0x1082;
	s9 =	sld [smem:$0x3FB1]  }
0x2f: {  	lr =	sadd.s32 s0, s3;
	s0 =	sld [smem:$0x3FA8]  }
0x30: {  	s3 =	sld [smem:$0x3FAB]  }
0x31: {  	[smem:$0x3FB4] =	sst s10  }
0x32: {  	s10 =	sld [smem:$0x3FB2];
	_ =	sdelay $0x3  }
0x33: {  	p0 =	seq.s32 s10, $0x1;
	s10 =	sld [smem:$0x3FB4];
	_ =	sdelay $0x3  }
0x34: {  	[smem:$0x3FB4] =	sst s10  }
0x35: {  	s10 =	sld [smem:$0x3FB3];
	_ =	sdelay $0x3  }
0x36: {  	p1 =	seq.s32 s10, $0x1;
	s10 =	sld [smem:$0x3FB4];
	_ =	sdelay $0x3  }
0x37: {  	[smem:$0x3FB4] =	sst s10  }
0x38: {  	s10 =	sld [smem:$0x3FB5]  }
0x39: {  	_ = 	snop;
	(pc) =	sbr.ind lr, $3  }
0x3a: {  	_ = 	snop  }
0x3b: {  	_ = 	snop  }
0x3c: {  	p2 =	seq.s32 s10, $0x1;
	s10 =	sld [smem:$0x3FB4]  }
0x3d: {  	_ =	shalt  }
0x3e: {  	_ =	shalt  }
0x3f: {  	_ =	shalt  }
0x40: {  	_ =	shalt  }
0x41: {  	_ =	shalt  }
0x42: {  	_ =	shalt  }
0x43: {  	_ =	shalt  }
0x44: {  	_ =	shalt  }
0x45: {  	_ =	shalt  }
0x46: {  	_ =	shalt  }
0x47: {  	_ =	shalt  }
0x48: {  	_ =	shalt  }
0x49: {  	_ =	shalt  }
0x4a: {  	_ =	shalt  }
0x4b: {  	_ =	shalt  }
0x4c: {  	_ =	shalt  }
0x4d: {  	_ =	shalt  }
0x4e: {  	_ =	shalt  }
0x4f: {  	_ =	shalt  }
0x50: {  	_ =	shalt  }
0x51: {  	_ =	shalt  }
0x52: {  	_ =	shalt  }
0x53: {  	_ =	shalt  }
0x54: {  	_ =	shalt  }
0x55: {  	_ =	shalt  }
0x56: {  	_ =	shalt  }
0x57: {  	_ =	shalt  }
0x58: {  	_ =	shalt  }
0x59: {  	_ =	shalt  }
0x5a: {  	_ =	shalt  }
0x5b: {  	_ =	shalt  }
0x5c: {  	_ =	shalt  }
0x5d: {  	_ =	shalt  }
0x5e: {  	_ =	shalt  }
0x5f: {  	_ =	shalt  }
0x60: {  	_ =	shalt  }
0x61: {  	_ =	shalt  }
0x62: {  	_ =	shalt  }
0x63: {  	_ =	shalt  }
0x64: {  	_ =	shalt  }
0x65: {  	_ =	shalt  }
0x66: {  	_ =	shalt  }
0x67: {  	_ =	shalt  }
0x68: {  	_ =	shalt  }
0x69: {  	_ =	shalt  }
0x6a: {  	_ =	shalt  }
0x6b: {  	_ =	shalt  }
0x6c: {  	_ =	shalt  }
0x6d: {  	_ =	shalt  }
0x6e: {  	_ =	shalt  }
0x6f: {  	_ =	shalt  }
0x70: {  	_ =	shalt  }
0x71: {  	_ =	shalt  }
0x72: {  	_ =	shalt  }
0x73: {  	_ =	shalt  }
0x74: {  	_ =	shalt  }
0x75: {  	_ =	shalt  }
0x76: {  	_ =	shalt  }
0x77: {  	_ =	shalt  }
0x78: {  	_ =	shalt  }
0x79: {  	_ =	shalt  }
0x7a: {  	_ =	shalt  }
0x7b: {  	_ =	shalt  }
0x7c: {  	_ =	shalt  }
0x7d: {  	_ =	shalt  }
0x7e: {  	_ =	shalt  }
0x7f: {  	_ =	shalt  }
0x80: {  	_ =	shalt  }
0x81: {  	_ =	shalt  }
0x82: {  	_ =	shalt  }
0x83: {  	_ =	shalt  }
0x84: {  	_ =	shalt  }
0x85: {  	_ =	shalt  }
0x86: {  	_ =	shalt  }
0x87: {  	_ =	shalt  }
.Lfunc_end0:
.L_simem_size_0:
called_computation.1_lowered:
.L_overlay_start_0:
0x88: {  	s2 =	sld [smem:$0x3FD9]  }
0x89: {  	s3 =	sld [smem:$0x3FFE];
	_ =	sdelay $0x1  }
0x8a: {  	s1 =	srdreg.scid  }
0x8b: {  	s0 =	sand.u32 $0x1, s1  }
0x8c: {  	s17 =	sshll.u32 s0, $0xA;
	s2 =	sadd.s32 s3, s2  }
0x8d: {  	s2 =	sadd.s32 s2, s17  }
0x8e: {  	[smem:$0x3FC0] =	sst s2  }
0x8f: {  	_ = 	snop  }
0x90: {  	s2 =	sld [smem:$0x3FD0];
	(tm) =	ssettm $0x1  }
0x91: {  	s18 =	sld [smem:$0x3FFB];
	_ =	sdelay $0x3  }
0x92: {  	_ =	strace s18  }
0x93: {  	s3 =	sld [smem:$0x3FFC];
	_ =	sdelay $0x3  }
0x94: {  	_ =	strace s3  }
0x95: {  	s3 =	sld [smem:$0x3FFD];
	_ =	sdelay $0x3  }
0x96: {  	_ =	strace s3  }
0x97: {  	_ =	strace $0x8FFFFFFF  }
0x98: {  	s19 =	sld [smem:$0x3FDB];
	_ =	sdelay $0x1  }
0x99: {  	s4 =	simm.s32 $_scs_section_size  }
0x9a: {  	s5 =	simm.s32 $_size__tile_overlayer_lowered;
	s6 =	simm.s32 $_tile_overlayer_lowered  }
0x9b: {  	s22 =	simm.s32 $0x1BFF;
	s21 =	sshll.u32 s6, $0x1;
	s3 =	sadd.s32 s4, s19  }
0x9c: {  	s7 =	simm.s32 $0x0;
	s20 =	sshll.u32 s5, $0x1;
	s5 =	sadd.s32 s21, s3  }
0x9d: {  	[timem:s7], [sflag:s22] =	dma.local [hbm:s5], s20  }
0x9e: {  	_ =	swait.ge [sflag:s22], s20  }
0x9f: {  	s4 =	ssub.s32 $0x0, s20;
	[sflag:s22] =	ssyncset.done $0x0  }
0xa0: {  	[sflag:s22] =	ssyncadd.s32 s4;
	_ =	sdelay $0x1  }
0xa1: {  	s23 =	simm.s32 $0x1B8B  }
0xa2: {  	_ =	swait.ge [sflag:s23], $0x1  }
0xa3: {  	[sflag:s23] =	ssyncset.done $0x0  }
0xa4: {  	s25 =	simm.s32 $0x1B8E;
	s24 =	sld [smem:$0x3FFE];
	[sflag:s23] =	ssyncadd.s32 $0xFFFFFFFF  }
0xa5: {  	s26 =	simm.s32 $execute0_lowered;
	[smem:$0x3FD2] =	sst s25  }
0xa6: {  	s5 =	sshll.u32 s26, $0x1;
	_ =	strace $0x80000049;
	[dreg:$0x1] =	wrdreg $0xFFFFFFFF  }
0xa7: {  	s28 =	simm.s32 $_size_execute0_lowered;
	s3 =	sadd.s32 s3, s5;
	[dreg:$0x0] =	wrdreg $0x0  }
0xa8: {  	s5 =	sshll.u32 s28, $0x1;
	[dreg:$0x2] =	wrdreg s3  }
0xa9: {  	[dreg:$0x3] =	wrdreg s5  }
0xaa: {  	[dreg:$0x4] =	wrdreg $0xC0  }
0xab: {  	_ =	task [dreg:s7], $0x5FFFF  }
0xac: {  	[dreg:$0x1] =	wrdreg $0xFFFFFFFF  }
0xad: {  	[dreg:$0x0] =	wrdreg $0x60  }
0xae: {  	[dreg:$0x2] =	wrdreg s2  }
0xaf: {  	[dreg:$0x3] =	wrdreg s24  }
0xb0: {  	[dreg:$0x4] =	wrdreg $0xA8000  }
0xb1: {  	[dreg:$0x5] =	wrdreg $0x9  }
0xb2: {  	_ =	task.clear_ibuf [dreg:s7], $0x6FFFF;
	_ =	strace $0x90000049  }
0xb3: {  	s29 =	simm.s32 $0x9;
	_ =	strace $0x8000004B  }
0xb4: {  	_ =	swait.ge [sflag:s29], $0x1  }
0xb5: {  	[sflag:s29] =	ssyncadd.s32 $0xFFFFFFFF  }
0xb6: {  	_ =	strace $0x9000004B  }
0xb7: {  	_ =	sfence  }
0xb8: {  	s30 =	sld [smem:$0x0];
	_ =	sdelay $0x2  }
0xb9: {  	s31 =	sshll.u32 s1, $0xD;
	s1 =	sshrl.u32 s1, $0x2  }
0xba: {  	s3 =	sand.u32 $0x4000, s31;
	s1 =	sadd.s32 s1, s30  }
0xbb: {  	s0 =	sor.u32 s3, s0;
	s1 =	sshll.u32 s1, $0x11  }
0xbc: {  	s0 =	sor.u32 s1, s0  }
0xbd: {  	s0 =	sadd.s32 $0x8F2B, s0  }
0xbe: {  	[sflag:s0] =	ssyncadd.remote.s32 $0x1  }
0xbf: {  	_ =	sfence.sel $0xFFFF  }
0xc0: {  	[dreg:$0x0] =	wrdreg $0xFFFFFFFF;
	(pc) =	sbr.abs _section_cstart, $3  }
0xc1: {  	[dreg:$0x1] =	wrdreg $0xFFFFFFFF  }
0xc2: {  	_ =	task.clear_ibuf [dreg:s7], $0x2FFFF;
	_ =	strace $0x9FFFFFFF  }
0xc3: {  	(tm) =	ssettm $0x7FFFFFFF  }
tec
execute0_lowered:
.L_overlay_start_1:
0x0: {  	(tag) =	ssettag $0x1  }
0x1: {  	s2 =	rddreg [dreg:$0x0]  }
0x2: {  	s1 =	srdreg.scid;
	s7 =	rddreg [dreg:$0x1]  }
0x3: {  	s0 =	stileid.u32;
	s3 =	rddreg [dreg:$0x2]  }
0x4: {  	s4 =	simm.s32 $0x0;
	s14 =	simm.s32 $0x3;
	s15 =	simm.s32 $0x1400  }
0x5: {  	s16 =	simm.s32 $0x80;
	s17 =	simm.s32 $0x2800;
	s18 =	simm.s32 $0x6800  }
0x6: {  	s19 =	simm.s32 $0x1;
	s20 =	simm.s32 $0x2;
	s21 =	simm.s32 $0x1380  }
0x7: {  	s22 =	simm.s32 $0x2700;
	s23 =	simm.s32 $0x2780;
	s24 =	simm.s32 $0x0  }
0x8: {  	s6 =	sand.u32 $0x1, s1;
	s26 =	sshll.u32 s0, $0x1;
	s9 =	smul.u32 $0x14000, s0  }
0x9: {  	[smem:$0x7FF] =	sst s4;
	s28 =	smul.u32 $0x50000, s0;
	s31 =	sshll.u32 s0, $0x6  }
0xa: {  	s1 =	sor.u32 s6, s26;
	s8 =	smul.u32 $0x140000, s6;
	s6 =	ssub.s32 $0x2, s6  }
0xb: {  	s5 =	smul.u32 $0x2800, s1;
	s1 =	rddreg [dreg:$0x3];
	_ =	strace $0x8000004A  }
0xc: {  	s29 =	sshrl.u32 s6, $0x1;
	s30 =	sshrl.u32 s28, $0x2;
	s8 =	sadd.s32 s9, s8  }
0xd: {  	s12 =	ssub.s32 s6, s29;
	s13 =	sadd.s32 s30, s3;
	s6 =	sor.u32 $0x1C03, s31  }
0xe: {  	s5 =	sshrl.u32 s5, $0x3;
	s8 =	sshrl.u32 s8, $0x3;
	s12 =	smax.u32 s12, $0x1  }
0xf: {  	s13 =	sshrl.u32 s13, $0x3;
	s10 =	sadd.s32 s5, s7;
	s5 =	sadd.s32 $0x17000, s7  }
0x10: {  	s11 =	sadd.s32 s8, s7;
	s7 =	sadd.s32 $0x2E00, s10;
	s8 =	sadd.s32 $0xCE00, s10  }
0x11: {  	s9 =	sadd.s32 $0x3080, s10;
	s10 =	sadd.s32 $0xD080, s10;
	s11 =	sadd.s32 $0x19800, s11  }
.LBB2_1:
0x12: {  	[spmem:s13], [sflag:s6] =	dma.local [hbm:s5], $0x2800  }
0x13: {  	_ =	swait.ge [sflag:s14], $0x2800  }
0x14: {  	[sflag:s14] =	ssyncset.done $0x0  }
0x15: {  	[sflag:s14] =	ssyncadd.s32 $0xFFFFD800  }
0x16: {  	[bflag:$0x0] =	sbarrier.arrive $0xFFFF  }
0x17: {  	[tilespmem:s4], [sflag:$0x3] =	stream.linear.gather [hbm4b:s7+s4], $0x1400, $0x38;
	[tilespmem:$0x1E800] =	vst v63  }
0x18: {  	_ =	swait.ge [sflag:s14], $0x1400  }
0x19: {  	[sflag:s14] =	ssyncset.done $0x0  }
0x1a: {  	[sflag:s14] =	ssyncadd.s32 $0xFFFFEC00  }
0x1b: {  	[tilespmem:s15], [sflag:$0x3] =	stream.linear.gather [hbm4b:s8+s4], $0x1400, $0x38;
	[tilespmem:$0x1E800] =	vst v63  }
0x1c: {  	_ =	swait.ge [sflag:s14], $0x1400  }
0x1d: {  	[sflag:s14] =	ssyncset.done $0x0  }
0x1e: {  	[sflag:s14] =	ssyncadd.s32 $0xFFFFEC00  }
0x1f: {  	[tilespmem:s17], [sflag:$0x1] =	stream.indirect.gather [hbm4b:s2+s16], $0x80, s4, s16, $0xb8;
	[tilespmem:$0x1E800] =	vst v63  }
0x20: {  	s25 =	simm.s32 $0x80  }
0x21: {  	[tilespmem:s18], [sflag:$0x2] =	stream.indirect.gather [hbm4b:s2+s16], $0x80, s25, s16, $0xb8;
	[tilespmem:$0x1E800] =	vst v63  }
0x22: {  	_ =	swait.ge [sflag:s19], $0x4000  }
0x23: {  	[sflag:s19] =	ssyncset.done $0x0  }
0x24: {  	s29 =	simm.s32 $0x1400;
	[sflag:s19] =	ssyncadd.s32 $0xFFFFC000  }
0x25: {  	[spmem:s3] =	stream.indirect.scatter.add.f32 [tilespmem:s17], [sflag:$0x3], $0x80, s29, s16, $0xb8;
	[tilespmem:$0x1E800] =	vst v63  }
0x26: {  	_ =	swait.ge [sflag:s14], $0x4000  }
0x27: {  	[sflag:s14] =	ssyncset.done $0x0  }
0x28: {  	s30 =	simm.s32 $0x100;
	[sflag:s14] =	ssyncadd.s32 $0xFFFFC000  }
0x29: {  	[tilespmem:s17], [sflag:$0x1] =	stream.indirect.gather [hbm4b:s2+s16], $0x80, s30, s16, $0xb8;
	[tilespmem:$0x1E800] =	vst v63  }
0x2a: {  	_ =	swait.ge [sflag:s20], $0x4000  }
0x2b: {  	[sflag:s20] =	ssyncset.done $0x0  }
0x2c: {  	s31 =	simm.s32 $0x1480;
	[sflag:s20] =	ssyncadd.s32 $0xFFFFC000  }
0x2d: {  	[spmem:s3] =	stream.indirect.scatter.add.f32 [tilespmem:s18], [sflag:$0x3], $0x80, s31, s16, $0xb8;
	[tilespmem:$0x1E800] =	vst v63  }
0x2e: {  	_ =	swait.ge [sflag:s14], $0x4000  }
0x2f: {  	s26 =	simm.s32 $0x800;
	s25 =	simm.s32 $0x100;
	[sflag:s14] =	ssyncset.done $0x0  }
.LBB2_2:
0x30: {  	s28 =	sadd.s32 $0x80, s25  }
0x31: {  	[sflag:s14] =	ssyncadd.s32 $0xFFFFC000;
	s29 =	smov.u32 s26;
	s30 =	sadd.s32 $0x400, s26  }
0x32: {  	[tilespmem:s18], [sflag:$0x2] =	stream.indirect.gather [hbm4b:s2+s16], $0x80, s28, s16, $0xb8;
	[tilespmem:$0x1E800] =	vst v63  }
0x33: {  	p0 =	sne.s32 s26, $0x4800;
	_ =	swait.ge [sflag:s19], $0x4000  }
0x34: {  	[sflag:s19] =	ssyncset.done $0x0  }
0x35: {  	s26 =	sadd.s32 $0x1400, s25;
	[sflag:s19] =	ssyncadd.s32 $0xFFFFC000  }
0x36: {  	[spmem:s3] =	stream.indirect.scatter.add.f32 [tilespmem:s17], [sflag:$0x3], $0x80, s26, s16, $0xb8;
	[tilespmem:$0x1E800] =	vst v63  }
0x37: {  	_ =	swait.ge [sflag:s14], $0x4000  }
0x38: {  	[sflag:s14] =	ssyncset.done $0x0  }
0x39: {  	s26 =	sadd.s32 $0x100, s25;
	[sflag:s14] =	ssyncadd.s32 $0xFFFFC000  }
0x3a: {  	[tilespmem:s17], [sflag:$0x1] =	stream.indirect.gather [hbm4b:s2+s16], $0x80, s26, s16, $0xb8;
	[tilespmem:$0x1E800] =	vst v63  }
0x3b: {  	_ =	swait.ge [sflag:s20], $0x4000  }
.Ltmp0:
0x3c: {  	[sflag:s20] =	ssyncset.done $0x0;
	(pc) =	sbr.rel @p0 .LBB2_2-.Ltmp0, $4  }
0x3d: {  	s25 =	sadd.s32 $0x1480, s25;
	[sflag:s20] =	ssyncadd.s32 $0xFFFFC000  }
0x3e: {  	[spmem:s3] =	stream.indirect.scatter.add.f32 [tilespmem:s18], [sflag:$0x3], $0x80, s25, s16, $0xb8;
	[tilespmem:$0x1E800] =	vst v63  }
0x3f: {  	_ =	swait.ge [sflag:s14], $0x4000  }
0x40: {  	s26 =	smov.u32 s30;
	s25 =	sshra.s32 s29, $0x2;
	[sflag:s14] =	ssyncset.done $0x0  }
0x41: {  	s26 =	sadd.s32 $0x80, s25;
	[sflag:s14] =	ssyncadd.s32 $0xFFFFC000  }
0x42: {  	[tilespmem:s18], [sflag:$0x2] =	stream.indirect.gather [hbm4b:s2+s16], $0x80, s26, s16, $0xb8;
	[tilespmem:$0x1E800] =	vst v63  }
0x43: {  	_ =	swait.ge [sflag:s19], $0x4000  }
0x44: {  	[sflag:s19] =	ssyncset.done $0x0  }
0x45: {  	s29 =	sadd.s32 $0x1400, s25;
	[sflag:s19] =	ssyncadd.s32 $0xFFFFC000  }
0x46: {  	[spmem:s3] =	stream.indirect.scatter.add.f32 [tilespmem:s17], [sflag:$0x3], $0x80, s29, s16, $0xb8;
	[tilespmem:$0x1E800] =	vst v63  }
0x47: {  	_ =	swait.ge [sflag:s14], $0x4000  }
0x48: {  	[sflag:s14] =	ssyncset.done $0x0  }
0x49: {  	s30 =	sadd.s32 $0x100, s25;
	[sflag:s14] =	ssyncadd.s32 $0xFFFFC000  }
0x4a: {  	[tilespmem:s17], [sflag:$0x1] =	stream.indirect.gather [hbm4b:s2+s16], $0x80, s30, s16, $0xb8;
	[tilespmem:$0x1E800] =	vst v63  }
0x4b: {  	_ =	swait.ge [sflag:s20], $0x4000  }
0x4c: {  	[sflag:s20] =	ssyncset.done $0x0  }
0x4d: {  	s31 =	sadd.s32 $0x1480, s25;
	[sflag:s20] =	ssyncadd.s32 $0xFFFFC000  }
0x4e: {  	[spmem:s3] =	stream.indirect.scatter.add.f32 [tilespmem:s18], [sflag:$0x3], $0x80, s31, s16, $0xb8;
	[tilespmem:$0x1E800] =	vst v63  }
0x4f: {  	_ =	swait.ge [sflag:s14], $0x4000  }
0x50: {  	[sflag:s14] =	ssyncset.done $0x0  }
0x51: {  	[sflag:s14] =	ssyncadd.s32 $0xFFFFC000  }
0x52: {  	[tilespmem:s18], [sflag:$0x2] =	stream.indirect.gather [hbm4b:s2+s16], $0x80, s21, s16, $0xb8;
	[tilespmem:$0x1E800] =	vst v63  }
0x53: {  	_ =	swait.ge [sflag:s19], $0x4000  }
0x54: {  	[sflag:s19] =	ssyncset.done $0x0  }
0x55: {  	[sflag:s19] =	ssyncadd.s32 $0xFFFFC000  }
0x56: {  	[spmem:s3] =	stream.indirect.scatter.add.f32 [tilespmem:s17], [sflag:$0x3], $0x80, s22, s16, $0xb8;
	[tilespmem:$0x1E800] =	vst v63  }
0x57: {  	_ =	swait.ge [sflag:s14], $0x4000  }
0x58: {  	[sflag:s14] =	ssyncset.done $0x0  }
0x59: {  	[sflag:s14] =	ssyncadd.s32 $0xFFFFC000  }
0x5a: {  	_ =	swait.ge [sflag:s20], $0x4000  }
0x5b: {  	[sflag:s20] =	ssyncset.done $0x0  }
0x5c: {  	[sflag:s20] =	ssyncadd.s32 $0xFFFFC000  }
0x5d: {  	[spmem:s3] =	stream.indirect.scatter.add.f32 [tilespmem:s18], [sflag:$0x3], $0x80, s23, s16, $0xb8;
	[tilespmem:$0x1E800] =	vst v63  }
0x5e: {  	_ =	swait.ge [sflag:s14], $0x4000  }
0x5f: {  	[sflag:s14] =	ssyncset.done $0x0  }
0x60: {  	s26 =	simm.s32 $0x0;
	[sflag:s14] =	ssyncadd.s32 $0xFFFFC000  }
0x61: {  	[tilespmem:s26], [sflag:$0x3] =	stream.linear.gather [hbm4b:s9+s26], $0x1400, $0x38;
	[tilespmem:$0x1E800] =	vst v63  }
0x62: {  	_ =	swait.ge [sflag:s14], $0x1400  }
0x63: {  	[sflag:s14] =	ssyncset.done $0x0  }
0x64: {  	[sflag:s14] =	ssyncadd.s32 $0xFFFFEC00  }
0x65: {  	[tilespmem:s15], [sflag:$0x3] =	stream.linear.gather [hbm4b:s10+s26], $0x1400, $0x38;
	[tilespmem:$0x1E800] =	vst v63  }
0x66: {  	_ =	swait.ge [sflag:s14], $0x1400  }
0x67: {  	[sflag:s14] =	ssyncset.done $0x0  }
0x68: {  	[sflag:s14] =	ssyncadd.s32 $0xFFFFEC00  }
0x69: {  	[tilespmem:s17], [sflag:$0x1] =	stream.indirect.gather [hbm4b:s2+s16], $0x80, s26, s16, $0xb8;
	[tilespmem:$0x1E800] =	vst v63  }
0x6a: {  	s28 =	simm.s32 $0x80  }
0x6b: {  	[tilespmem:s18], [sflag:$0x2] =	stream.indirect.gather [hbm4b:s2+s16], $0x80, s28, s16, $0xb8;
	[tilespmem:$0x1E800] =	vst v63  }
0x6c: {  	_ =	swait.ge [sflag:s19], $0x4000  }
0x6d: {  	[sflag:s19] =	ssyncset.done $0x0  }
0x6e: {  	s29 =	simm.s32 $0x1400;
	[sflag:s19] =	ssyncadd.s32 $0xFFFFC000  }
0x6f: {  	[spmem:s3] =	stream.indirect.scatter.add.f32 [tilespmem:s17], [sflag:$0x3], $0x80, s29, s16, $0xb8;
	[tilespmem:$0x1E800] =	vst v63  }
0x70: {  	_ =	swait.ge [sflag:s14], $0x4000  }
0x71: {  	[sflag:s14] =	ssyncset.done $0x0  }
0x72: {  	s30 =	simm.s32 $0x100;
	[sflag:s14] =	ssyncadd.s32 $0xFFFFC000  }
0x73: {  	[tilespmem:s17], [sflag:$0x1] =	stream.indirect.gather [hbm4b:s2+s16], $0x80, s30, s16, $0xb8;
	[tilespmem:$0x1E800] =	vst v63  }
0x74: {  	_ =	swait.ge [sflag:s20], $0x4000  }
0x75: {  	[sflag:s20] =	ssyncset.done $0x0  }
0x76: {  	s31 =	simm.s32 $0x1480;
	[sflag:s20] =	ssyncadd.s32 $0xFFFFC000  }
0x77: {  	[spmem:s3] =	stream.indirect.scatter.add.f32 [tilespmem:s18], [sflag:$0x3], $0x80, s31, s16, $0xb8;
	[tilespmem:$0x1E800] =	vst v63  }
0x78: {  	_ =	swait.ge [sflag:s14], $0x4000  }
0x79: {  	s25 =	simm.s32 $0x100;
	s26 =	simm.s32 $0x800;
	[sflag:s14] =	ssyncset.done $0x0  }
.LBB2_4:
0x7a: {  	s28 =	sadd.s32 $0x80, s25  }
0x7b: {  	[sflag:s14] =	ssyncadd.s32 $0xFFFFC000;
	s29 =	smov.u32 s26;
	s30 =	sadd.s32 $0x400, s26  }
0x7c: {  	[tilespmem:s18], [sflag:$0x2] =	stream.indirect.gather [hbm4b:s2+s16], $0x80, s28, s16, $0xb8;
	[tilespmem:$0x1E800] =	vst v63  }
0x7d: {  	p0 =	sne.s32 s26, $0x4800;
	_ =	swait.ge [sflag:s19], $0x4000  }
0x7e: {  	[sflag:s19] =	ssyncset.done $0x0  }
0x7f: {  	s26 =	sadd.s32 $0x1400, s25;
	[sflag:s19] =	ssyncadd.s32 $0xFFFFC000  }
0x80: {  	[spmem:s3] =	stream.indirect.scatter.add.f32 [tilespmem:s17], [sflag:$0x3], $0x80, s26, s16, $0xb8;
	[tilespmem:$0x1E800] =	vst v63  }
0x81: {  	_ =	swait.ge [sflag:s14], $0x4000  }
0x82: {  	[sflag:s14] =	ssyncset.done $0x0  }
0x83: {  	s26 =	sadd.s32 $0x100, s25;
	[sflag:s14] =	ssyncadd.s32 $0xFFFFC000  }
0x84: {  	[tilespmem:s17], [sflag:$0x1] =	stream.indirect.gather [hbm4b:s2+s16], $0x80, s26, s16, $0xb8;
	[tilespmem:$0x1E800] =	vst v63  }
0x85: {  	_ =	swait.ge [sflag:s20], $0x4000  }
.Ltmp1:
0x86: {  	[sflag:s20] =	ssyncset.done $0x0;
	(pc) =	sbr.rel @p0 .LBB2_4-.Ltmp1, $4  }
0x87: {  	s25 =	sadd.s32 $0x1480, s25;
	[sflag:s20] =	ssyncadd.s32 $0xFFFFC000  }
0x88: {  	[spmem:s3] =	stream.indirect.scatter.add.f32 [tilespmem:s18], [sflag:$0x3], $0x80, s25, s16, $0xb8;
	[tilespmem:$0x1E800] =	vst v63  }
0x89: {  	_ =	swait.ge [sflag:s14], $0x4000  }
0x8a: {  	s26 =	smov.u32 s30;
	s25 =	sshra.s32 s29, $0x2;
	[sflag:s14] =	ssyncset.done $0x0  }
0x8b: {  	s26 =	sadd.s32 $0x80, s25;
	[sflag:s14] =	ssyncadd.s32 $0xFFFFC000  }
0x8c: {  	[tilespmem:s18], [sflag:$0x2] =	stream.indirect.gather [hbm4b:s2+s16], $0x80, s26, s16, $0xb8;
	[tilespmem:$0x1E800] =	vst v63  }
0x8d: {  	_ =	swait.ge [sflag:s19], $0x4000  }
0x8e: {  	[sflag:s19] =	ssyncset.done $0x0  }
0x8f: {  	s29 =	sadd.s32 $0x1400, s25;
	[sflag:s19] =	ssyncadd.s32 $0xFFFFC000  }
0x90: {  	[spmem:s3] =	stream.indirect.scatter.add.f32 [tilespmem:s17], [sflag:$0x3], $0x80, s29, s16, $0xb8;
	[tilespmem:$0x1E800] =	vst v63  }
0x91: {  	_ =	swait.ge [sflag:s14], $0x4000  }
0x92: {  	[sflag:s14] =	ssyncset.done $0x0  }
0x93: {  	s30 =	sadd.s32 $0x100, s25;
	[sflag:s14] =	ssyncadd.s32 $0xFFFFC000  }
0x94: {  	[tilespmem:s17], [sflag:$0x1] =	stream.indirect.gather [hbm4b:s2+s16], $0x80, s30, s16, $0xb8;
	[tilespmem:$0x1E800] =	vst v63  }
0x95: {  	_ =	swait.ge [sflag:s20], $0x4000  }
0x96: {  	[sflag:s20] =	ssyncset.done $0x0  }
0x97: {  	s31 =	sadd.s32 $0x1480, s25;
	[sflag:s20] =	ssyncadd.s32 $0xFFFFC000  }
0x98: {  	[spmem:s3] =	stream.indirect.scatter.add.f32 [tilespmem:s18], [sflag:$0x3], $0x80, s31, s16, $0xb8;
	[tilespmem:$0x1E800] =	vst v63  }
0x99: {  	_ =	swait.ge [sflag:s14], $0x4000  }
0x9a: {  	[sflag:s14] =	ssyncset.done $0x0  }
0x9b: {  	[sflag:s14] =	ssyncadd.s32 $0xFFFFC000  }
0x9c: {  	[tilespmem:s18], [sflag:$0x2] =	stream.indirect.gather [hbm4b:s2+s16], $0x80, s21, s16, $0xb8;
	[tilespmem:$0x1E800] =	vst v63  }
0x9d: {  	_ =	swait.ge [sflag:s19], $0x4000  }
0x9e: {  	[sflag:s19] =	ssyncset.done $0x0  }
0x9f: {  	[sflag:s19] =	ssyncadd.s32 $0xFFFFC000  }
0xa0: {  	[spmem:s3] =	stream.indirect.scatter.add.f32 [tilespmem:s17], [sflag:$0x3], $0x80, s22, s16, $0xb8;
	[tilespmem:$0x1E800] =	vst v63  }
0xa1: {  	_ =	swait.ge [sflag:s14], $0x4000  }
0xa2: {  	[sflag:s14] =	ssyncset.done $0x0  }
0xa3: {  	[sflag:s14] =	ssyncadd.s32 $0xFFFFC000  }
0xa4: {  	_ =	swait.ge [sflag:s20], $0x4000  }
0xa5: {  	[sflag:s20] =	ssyncset.done $0x0  }
0xa6: {  	[sflag:s20] =	ssyncadd.s32 $0xFFFFC000  }
0xa7: {  	[spmem:s3] =	stream.indirect.scatter.add.f32 [tilespmem:s18], [sflag:$0x3], $0x80, s23, s16, $0xb8;
	[tilespmem:$0x1E800] =	vst v63  }
0xa8: {  	_ =	swait.ge [sflag:s14], $0x4000  }
0xa9: {  	s24 =	sadd.s32 $0x1, s24;
	[sflag:s14] =	ssyncset.done $0x0  }
0xaa: {  	p0 =	sne.s32 s24, s12;
	[sflag:s14] =	ssyncadd.s32 $0xFFFFC000  }
.Ltmp2:
0xab: {  	[bflag:$0x0] =	sbarrier.arrive $0xFFFF;
	(pc) =	sbr.rel @p0 .LBB2_1-.Ltmp2, $4  }
0xac: {  	[hbm:s11], [sflag:s6] =	dma.local [spmem:s13], $0x2800  }
0xad: {  	_ =	swait.ge [sflag:s14], $0x2800  }
0xae: {  	[sflag:s14] =	ssyncset.done $0x0  }
0xaf: {  	[sflag:s14] =	ssyncadd.s32 $0xFFFFD800  }
0xb0: {  	_ =	sfence.sel $0x180000  }
0xb1: {  	[bflag:$0x0] =	sbarrier.arrive $0xFFFF  }
0xb2: {  	p0 =	sne.s32 s0, $0x0;
	_ =	strace $0x9000004A  }
0xb3: {  	s0 =	sadd.s32 @!p0 $0x100000, s1;
	[bflag:$0x2] =	sbarrier.arrive $0xFFFF  }
0xb4: {  	[sflag:s0] =	ssyncadd.tile.s32 @!p0 $0x1;
	_ =	shalt  }
.Lfunc_end2:
_tile_overlayer_lowered:
.L_overlay_start_2:
0xb5: {  	(tag) =	ssettag $0x2  }
0xb6: {  	s0 =	rddreg [dreg:$0x0];
	s2 =	stileid.u32  }
0xb7: {  	s1 =	rddreg [dreg:$0x1];
	p0 =	sne.s32 s2, $0x0  }
0xb8: {  	s3 =	rddreg [dreg:$0x2];
	[bflag:$0x3] =	sbarrier.arrive $0xFFFF;
	s2 =	simm.s32 @!p0 $0x1C03  }
0xb9: {  	[timem:s3], [sflag:s2] =	dma.local @!p0 [hbm:s0], s1  }
0xba: {  	s0 =	simm.s32 @!p0 $0x3  }
0xbb: {  	_ =	swait.ge @!p0 [sflag:s0], s1  }
0xbc: {  	s1 =	ssub.s32 @!p0 $0x0, s1;
	[sflag:s0] =	ssyncset.done @!p0 $0x0  }
0xbd: {  	[sflag:s0] =	ssyncadd.s32 @!p0 s1  }
0xbe: {  	[bflag:$0x3] =	sbarrier.arrive $0xFFFF  }
0xbf: {  	_ =	shalt  }

</sc_bundles>
